<compile_context>
chip_gen: v7x
topology: tpu7x:2x2x1
jax: 0.10.2.dev20260603
libtpu: 0.0.44.dev20260713+nightly
codegen_flags: <defaults>
</compile_context>

<pallas_src>
import functools

import jax
import jax.numpy as jnp
from jax import lax
from jax.experimental import pallas as pl
from jax.experimental.pallas import tpu as pltpu
from jax.experimental.pallas import tpu_sc as plsc

D_MODEL = 64
D_PAD = 128
SCALE = float(D_MODEL) ** 0.5
NUM_CORES = 2
NUM_SUBCORES = 16
NUM_WORKERS = NUM_CORES * NUM_SUBCORES
CHUNK = 640
NBUF = 2
NIBUF = 3
FMT_BLK = 32768


def _tc_format_body(t_ref, o_ref):
    t = jnp.swapaxes(t_ref[...], 0, 1) * SCALE
    o_ref[:, :D_MODEL] = t[: FMT_BLK // 2]
    o_ref[:, D_MODEL:] = t[FMT_BLK // 2 :]


def _tc_format(tt):
    v = tt.shape[1]
    n_blk = (v + FMT_BLK - 1) // FMT_BLK
    return pl.pallas_call(
        _tc_format_body,
        grid=(n_blk,),
        in_specs=[pl.BlockSpec((D_MODEL, FMT_BLK), lambda i: (0, i))],
        out_specs=pl.BlockSpec((FMT_BLK // 2, 2 * D_MODEL), lambda i: (i, 0)),
        out_shape=jax.ShapeDtypeStruct((n_blk * FMT_BLK // 2, 2 * D_MODEL), jnp.float32),
    )(tt)


@functools.partial(jax.jit, static_argnums=(2,))
def _sc_embed(idx, table_scaled, n_rows):
    b_per_w = n_rows // NUM_WORKERS
    n_chunks = b_per_w // CHUNK
    mesh = plsc.VectorSubcoreMesh(core_axis_name="c", subcore_axis_name="s")

    @functools.partial(
        pl.kernel,
        mesh=mesh,
        out_type=jax.ShapeDtypeStruct((n_rows, D_PAD), jnp.float32),
        scratch_types=[
            [pltpu.VMEM((CHUNK,), jnp.int32) for _ in range(NIBUF)],
            [pltpu.VMEM((CHUNK, D_MODEL), jnp.float32) for _ in range(NBUF)],
            [pltpu.SemaphoreType.DMA for _ in range(NIBUF)],
            [pltpu.SemaphoreType.DMA for _ in range(NBUF)],
            [pltpu.SemaphoreType.DMA for _ in range(NBUF)],
        ],
        compiler_params=pltpu.CompilerParams(use_tc_tiling_on_sc=False),
    )
    def k(idx_hbm, table_hbm, out_hbm, idxs, rows, i_sems, g_sems, w_sems):
        wid = lax.axis_index("s") * NUM_CORES + lax.axis_index("c")
        base_w = wid * b_per_w

        def start_idx(c):
            b = c % NIBUF
            return pltpu.async_copy(
                idx_hbm.at[pl.ds(base_w + c * CHUNK, CHUNK)], idxs[b], i_sems[b]
            )

        def start_gather(c):
            return pltpu.async_copy(
                table_hbm.at[idxs[c % NIBUF]], rows[c % NBUF], g_sems[c % NBUF]
            )

        idx_copies = {c: start_idx(c) for c in range(min(2, n_chunks))}
        idx_copies.pop(0).wait()
        gathers = {0: start_gather(0)}
        writebacks = {}
        for c in range(n_chunks):
            gathers.pop(c).wait()
            if c + 1 < n_chunks:
                if c + 2 < n_chunks:
                    idx_copies[c + 2] = start_idx(c + 2)
                idx_copies.pop(c + 1).wait()
                if c + 1 >= NBUF:
                    writebacks.pop(c + 1 - NBUF).wait()
                gathers[c + 1] = start_gather(c + 1)

            writebacks[c] = pltpu.async_copy(
                rows[c % NBUF],
                out_hbm.at[pl.ds(base_w + c * CHUNK, CHUNK), pl.ds(0, D_MODEL)],
                w_sems[c % NBUF],
            )
        for c in sorted(writebacks):
            writebacks.pop(c).wait()

    return k(idx, table_scaled)


def kernel(x, table):
    b, s = x.shape
    n = b * s
    v = table.shape[0]
    xf = x.reshape(n).astype(jnp.int32)
    half = FMT_BLK // 2
    blk = xf // FMT_BLK
    m = xf % FMT_BLK
    xg = blk * FMT_BLK + (m % half) * 2 + m // half
    tf = _tc_format(table.T)
    th = tf.reshape(tf.shape[0] * 2, D_MODEL)
    out = _sc_embed(xg, th, n)
    return out.reshape(b, s, D_PAD)[:, :, :D_MODEL]

# --- scband reference (transcript-rebuilt; emitter-appended) ---
"""Pipeline reference for scband-input-embedding-335007449618 (READ-ONLY COPY).

The authoritative reference and input builder live on the scoring server;
editing this copy changes nothing except your own understanding.
"""

import jax, jax.numpy as jnp
import numpy as np

VOCAB_SIZE = 1000000
D_MODEL = 64
BATCH = 1024
SEQ_LEN = 200


def setup_inputs(seed: int = 0) -> dict:
    key = jax.random.key(seed)
    k_idx, k_tab = jax.random.split(key)
    x = jax.random.randint(k_idx, (BATCH, SEQ_LEN), 0, VOCAB_SIZE, dtype=jnp.int64 if jax.config.jax_enable_x64 else jnp.int32)
    table = jax.random.normal(k_tab, (VOCAB_SIZE, D_MODEL), dtype=jnp.float32) * 0.02
    return {"x": x, "table": table}


def reference(x, table):
    # nn.Embedding lookup: gather rows of the table
    emb = jnp.take(table, x, axis=0)  # [B, S, d_model]
    # scale by sqrt(d_model)
    out = emb * (D_MODEL ** 0.5)
    return out

if __name__ == "__main__":
    import jax
    _d = setup_inputs()
    print(jax.jit(kernel)(*tuple(_d.values())))

</pallas_src>

<mosaic_0001>
#map = affine_map<(d0, d1) -> (0)>
#map1 = affine_map<(d0, d1) -> (0, 0)>
module attributes {stable_mosaic.version = 14 : i64} {
  func.func @k(%arg0: i32, %arg1: i32, %arg2: memref<204800xi32, #tpu.memory_space<hbm>>, %arg3: memref<1015808x64xf32, #tpu.memory_space<hbm>>, %arg4: memref<204800x128xf32, #tpu.memory_space<hbm>>, %arg5: memref<640xi32, #tpu.memory_space<vmem>>, %arg6: memref<640xi32, #tpu.memory_space<vmem>>, %arg7: memref<640xi32, #tpu.memory_space<vmem>>, %arg8: memref<640x64xf32, #tpu.memory_space<vmem>>, %arg9: memref<640x64xf32, #tpu.memory_space<vmem>>, %arg10: memref<!tpu.dma_semaphore, #tpu.memory_space<semaphore_mem>>, %arg11: memref<!tpu.dma_semaphore, #tpu.memory_space<semaphore_mem>>, %arg12: memref<!tpu.dma_semaphore, #tpu.memory_space<semaphore_mem>>, %arg13: memref<!tpu.dma_semaphore, #tpu.memory_space<semaphore_mem>>, %arg14: memref<!tpu.dma_semaphore, #tpu.memory_space<semaphore_mem>>, %arg15: memref<!tpu.dma_semaphore, #tpu.memory_space<semaphore_mem>>, %arg16: memref<!tpu.dma_semaphore, #tpu.memory_space<semaphore_mem>>) attributes {dimension_semantics = [#tpu.dimension_semantics<core_parallel>, #tpu.dimension_semantics<subcore_parallel>], iteration_bounds = array<i64: 2, 16>, scalar_prefetch = 0 : i64, scratch_operands = 12 : i64, tpu.core_type = #tpu.core_type<sc_vector_subcore>, window_params = [{transform_indices = #map}, {transform_indices = #map1}, {transform_indices = #map1}]} {
    %mul3A = arith.constant 2 : i32
    %mul3A_0 = arith.muli %arg1, %mul3A : i32
    %add3A = arith.addi %mul3A_0, %arg0 : i32
    %mul3A_1 = arith.constant 6400 : i32
    %mul3A_2 = arith.muli %add3A, %mul3A_1 : i32
    %add3A_3 = arith.constant 0 : i32
    %add3A_4 = arith.addi %mul3A_2, %add3A_3 : i32
    %dma_start3A = tpu.memref_slice %arg2[%add3A_4] : memref<204800xi32, #tpu.memory_space<hbm>> -> memref<640xi32, #tpu.memory_space<hbm>>
    %dma_start3A_5 = tpu.memref_slice %arg2[%add3A_4] : memref<204800xi32, #tpu.memory_space<hbm>> -> memref<640xi32, #tpu.memory_space<hbm>>
    tpu.enqueue_dma source(%dma_start3A_5 : memref<640xi32, #tpu.memory_space<hbm>>) target(%arg5 : memref<640xi32, #tpu.memory_space<vmem>>) target_semaphore(%arg10 : memref<!tpu.dma_semaphore, #tpu.memory_space<semaphore_mem>>)
    %add3A_6 = arith.constant 640 : i32
    %add3A_7 = arith.addi %mul3A_2, %add3A_6 : i32
    %dma_start3A_8 = tpu.memref_slice %arg2[%add3A_7] : memref<204800xi32, #tpu.memory_space<hbm>> -> memref<640xi32, #tpu.memory_space<hbm>>
    %dma_start3A_9 = tpu.memref_slice %arg2[%add3A_7] : memref<204800xi32, #tpu.memory_space<hbm>> -> memref<640xi32, #tpu.memory_space<hbm>>
    tpu.enqueue_dma source(%dma_start3A_9 : memref<640xi32, #tpu.memory_space<hbm>>) target(%arg6 : memref<640xi32, #tpu.memory_space<vmem>>) target_semaphore(%arg11 : memref<!tpu.dma_semaphore, #tpu.memory_space<semaphore_mem>>)
    %dma_wait3A = tpu.memref_slice %arg2[%add3A_4] : memref<204800xi32, #tpu.memory_space<hbm>> -> memref<640xi32, #tpu.memory_space<hbm>>
    %dma_wait3A_10 = tpu.memref_slice %arg2[%add3A_4] : memref<204800xi32, #tpu.memory_space<hbm>> -> memref<640xi32, #tpu.memory_space<hbm>>
    tpu.wait_dma2 semaphore(%arg10 : memref<!tpu.dma_semaphore, #tpu.memory_space<semaphore_mem>>) src(%dma_wait3A_10 : memref<640xi32, #tpu.memory_space<hbm>>) dst(%arg5 : memref<640xi32, #tpu.memory_space<vmem>>)
    %dma_start3A_11 = arith.constant 0 : i32
    %dma_start3A_12 = arith.constant 0 : i32
    %dma_start3A_13 = tpu.memref_slice %arg3[%dma_start3A_11, %dma_start3A_12] : memref<1015808x64xf32, #tpu.memory_space<hbm>> -> memref<1015808x64xf32, #tpu.memory_space<hbm>>
    tpu.enqueue_indirect_dma source(%dma_start3A_13 : memref<1015808x64xf32, #tpu.memory_space<hbm>>) target(%arg8 : memref<640x64xf32, #tpu.memory_space<vmem>>) offsets(%arg5 : memref<640xi32, #tpu.memory_space<vmem>>) semaphore(%arg13 : memref<!tpu.dma_semaphore, #tpu.memory_space<semaphore_mem>>)
    %dma_wait3A_14 = arith.constant 0 : i32
    %dma_wait3A_15 = arith.constant 0 : i32
    %dma_wait3A_16 = tpu.memref_slice %arg3[%dma_wait3A_14, %dma_wait3A_15] : memref<1015808x64xf32, #tpu.memory_space<hbm>> -> memref<1015808x64xf32, #tpu.memory_space<hbm>>
    tpu.wait_indirect_dma semaphore(%arg13 : memref<!tpu.dma_semaphore, #tpu.memory_space<semaphore_mem>>) src(%dma_wait3A_16 : memref<1015808x64xf32, #tpu.memory_space<hbm>>) dst(%arg8 : memref<640x64xf32, #tpu.memory_space<vmem>>)
    %add3A_17 = arith.constant 1280 : i32
    %add3A_18 = arith.addi %mul3A_2, %add3A_17 : i32
    %dma_start3A_19 = tpu.memref_slice %arg2[%add3A_18] : memref<204800xi32, #tpu.memory_space<hbm>> -> memref<640xi32, #tpu.memory_space<hbm>>
    %dma_start3A_20 = tpu.memref_slice %arg2[%add3A_18] : memref<204800xi32, #tpu.memory_space<hbm>> -> memref<640xi32, #tpu.memory_space<hbm>>
    tpu.enqueue_dma source(%dma_start3A_20 : memref<640xi32, #tpu.memory_space<hbm>>) target(%arg7 : memref<640xi32, #tpu.memory_space<vmem>>) target_semaphore(%arg12 : memref<!tpu.dma_semaphore, #tpu.memory_space<semaphore_mem>>)
    %dma_wait3A_21 = tpu.memref_slice %arg2[%add3A_7] : memref<204800xi32, #tpu.memory_space<hbm>> -> memref<640xi32, #tpu.memory_space<hbm>>
    %dma_wait3A_22 = tpu.memref_slice %arg2[%add3A_7] : memref<204800xi32, #tpu.memory_space<hbm>> -> memref<640xi32, #tpu.memory_space<hbm>>
    tpu.wait_dma2 semaphore(%arg11 : memref<!tpu.dma_semaphore, #tpu.memory_space<semaphore_mem>>) src(%dma_wait3A_22 : memref<640xi32, #tpu.memory_space<hbm>>) dst(%arg6 : memref<640xi32, #tpu.memory_space<vmem>>)
    %dma_start3A_23 = arith.constant 0 : i32
    %dma_start3A_24 = arith.constant 0 : i32
    %dma_start3A_25 = tpu.memref_slice %arg3[%dma_start3A_23, %dma_start3A_24] : memref<1015808x64xf32, #tpu.memory_space<hbm>> -> memref<1015808x64xf32, #tpu.memory_space<hbm>>
    tpu.enqueue_indirect_dma source(%dma_start3A_25 : memref<1015808x64xf32, #tpu.memory_space<hbm>>) target(%arg9 : memref<640x64xf32, #tpu.memory_space<vmem>>) offsets(%arg6 : memref<640xi32, #tpu.memory_space<vmem>>) semaphore(%arg14 : memref<!tpu.dma_semaphore, #tpu.memory_space<semaphore_mem>>)
    %add3A_26 = arith.constant 0 : i32
    %add3A_27 = arith.addi %mul3A_2, %add3A_26 : i32
    %dma_start3A_28 = arith.constant 0 : i32
    %dma_start3A_29 = tpu.memref_slice %arg4[%add3A_27, %dma_start3A_28] : memref<204800x128xf32, #tpu.memory_space<hbm>> -> memref<640x64xf32, #tpu.memory_space<hbm>>
    %dma_start3A_30 = arith.constant 0 : i32
    %dma_start3A_31 = tpu.memref_slice %arg4[%add3A_27, %dma_start3A_30] : memref<204800x128xf32, #tpu.memory_space<hbm>> -> memref<640x64xf32, #tpu.memory_space<hbm>>
    tpu.enqueue_dma source(%arg8 : memref<640x64xf32, #tpu.memory_space<vmem>>) target(%dma_start3A_31 : memref<640x64xf32, #tpu.memory_space<hbm>>) target_semaphore(%arg15 : memref<!tpu.dma_semaphore, #tpu.memory_space<semaphore_mem>>)
    %dma_wait3A_32 = arith.constant 0 : i32
    %dma_wait3A_33 = arith.constant 0 : i32
    %dma_wait3A_34 = tpu.memref_slice %arg3[%dma_wait3A_32, %dma_wait3A_33] : memref<1015808x64xf32, #tpu.memory_space<hbm>> -> memref<1015808x64xf32, #tpu.memory_space<hbm>>
    tpu.wait_indirect_dma semaphore(%arg14 : memref<!tpu.dma_semaphore, #tpu.memory_space<semaphore_mem>>) src(%dma_wait3A_34 : memref<1015808x64xf32, #tpu.memory_space<hbm>>) dst(%arg9 : memref<640x64xf32, #tpu.memory_space<vmem>>)
    %add3A_35 = arith.constant 1920 : i32
    %add3A_36 = arith.addi %mul3A_2, %add3A_35 : i32
    %dma_start3A_37 = tpu.memref_slice %arg2[%add3A_36] : memref<204800xi32, #tpu.memory_space<hbm>> -> memref<640xi32, #tpu.memory_space<hbm>>
    %dma_start3A_38 = tpu.memref_slice %arg2[%add3A_36] : memref<204800xi32, #tpu.memory_space<hbm>> -> memref<640xi32, #tpu.memory_space<hbm>>
    tpu.enqueue_dma source(%dma_start3A_38 : memref<640xi32, #tpu.memory_space<hbm>>) target(%arg5 : memref<640xi32, #tpu.memory_space<vmem>>) target_semaphore(%arg10 : memref<!tpu.dma_semaphore, #tpu.memory_space<semaphore_mem>>)
    %dma_wait3A_39 = tpu.memref_slice %arg2[%add3A_18] : memref<204800xi32, #tpu.memory_space<hbm>> -> memref<640xi32, #tpu.memory_space<hbm>>
    %dma_wait3A_40 = tpu.memref_slice %arg2[%add3A_18] : memref<204800xi32, #tpu.memory_space<hbm>> -> memref<640xi32, #tpu.memory_space<hbm>>
    tpu.wait_dma2 semaphore(%arg12 : memref<!tpu.dma_semaphore, #tpu.memory_space<semaphore_mem>>) src(%dma_wait3A_40 : memref<640xi32, #tpu.memory_space<hbm>>) dst(%arg7 : memref<640xi32, #tpu.memory_space<vmem>>)
    %dma_wait3A_41 = arith.constant 0 : i32
    %dma_wait3A_42 = tpu.memref_slice %arg4[%add3A_27, %dma_wait3A_41] : memref<204800x128xf32, #tpu.memory_space<hbm>> -> memref<640x64xf32, #tpu.memory_space<hbm>>
    %dma_wait3A_43 = arith.constant 0 : i32
    %dma_wait3A_44 = tpu.memref_slice %arg4[%add3A_27, %dma_wait3A_43] : memref<204800x128xf32, #tpu.memory_space<hbm>> -> memref<640x64xf32, #tpu.memory_space<hbm>>
    tpu.wait_dma2 semaphore(%arg15 : memref<!tpu.dma_semaphore, #tpu.memory_space<semaphore_mem>>) src(%arg8 : memref<640x64xf32, #tpu.memory_space<vmem>>) dst(%dma_wait3A_44 : memref<640x64xf32, #tpu.memory_space<hbm>>)
    %dma_start3A_45 = arith.constant 0 : i32
    %dma_start3A_46 = arith.constant 0 : i32
    %dma_start3A_47 = tpu.memref_slice %arg3[%dma_start3A_45, %dma_start3A_46] : memref<1015808x64xf32, #tpu.memory_space<hbm>> -> memref<1015808x64xf32, #tpu.memory_space<hbm>>
    tpu.enqueue_indirect_dma source(%dma_start3A_47 : memref<1015808x64xf32, #tpu.memory_space<hbm>>) target(%arg8 : memref<640x64xf32, #tpu.memory_space<vmem>>) offsets(%arg7 : memref<640xi32, #tpu.memory_space<vmem>>) semaphore(%arg13 : memref<!tpu.dma_semaphore, #tpu.memory_space<semaphore_mem>>)
    %add3A_48 = arith.constant 640 : i32
    %add3A_49 = arith.addi %mul3A_2, %add3A_48 : i32
    %dma_start3A_50 = arith.constant 0 : i32
    %dma_start3A_51 = tpu.memref_slice %arg4[%add3A_49, %dma_start3A_50] : memref<204800x128xf32, #tpu.memory_space<hbm>> -> memref<640x64xf32, #tpu.memory_space<hbm>>
    %dma_start3A_52 = arith.constant 0 : i32
    %dma_start3A_53 = tpu.memref_slice %arg4[%add3A_49, %dma_start3A_52] : memref<204800x128xf32, #tpu.memory_space<hbm>> -> memref<640x64xf32, #tpu.memory_space<hbm>>
    tpu.enqueue_dma source(%arg9 : memref<640x64xf32, #tpu.memory_space<vmem>>) target(%dma_start3A_53 : memref<640x64xf32, #tpu.memory_space<hbm>>) target_semaphore(%arg16 : memref<!tpu.dma_semaphore, #tpu.memory_space<semaphore_mem>>)
    %dma_wait3A_54 = arith.constant 0 : i32
    %dma_wait3A_55 = arith.constant 0 : i32
    %dma_wait3A_56 = tpu.memref_slice %arg3[%dma_wait3A_54, %dma_wait3A_55] : memref<1015808x64xf32, #tpu.memory_space<hbm>> -> memref<1015808x64xf32, #tpu.memory_space<hbm>>
    tpu.wait_indirect_dma semaphore(%arg13 : memref<!tpu.dma_semaphore, #tpu.memory_space<semaphore_mem>>) src(%dma_wait3A_56 : memref<1015808x64xf32, #tpu.memory_space<hbm>>) dst(%arg8 : memref<640x64xf32, #tpu.memory_space<vmem>>)
    %add3A_57 = arith.constant 2560 : i32
    %add3A_58 = arith.addi %mul3A_2, %add3A_57 : i32
    %dma_start3A_59 = tpu.memref_slice %arg2[%add3A_58] : memref<204800xi32, #tpu.memory_space<hbm>> -> memref<640xi32, #tpu.memory_space<hbm>>
    %dma_start3A_60 = tpu.memref_slice %arg2[%add3A_58] : memref<204800xi32, #tpu.memory_space<hbm>> -> memref<640xi32, #tpu.memory_space<hbm>>
    tpu.enqueue_dma source(%dma_start3A_60 : memref<640xi32, #tpu.memory_space<hbm>>) target(%arg6 : memref<640xi32, #tpu.memory_space<vmem>>) target_semaphore(%arg11 : memref<!tpu.dma_semaphore, #tpu.memory_space<semaphore_mem>>)
    %dma_wait3A_61 = tpu.memref_slice %arg2[%add3A_36] : memref<204800xi32, #tpu.memory_space<hbm>> -> memref<640xi32, #tpu.memory_space<hbm>>
    %dma_wait3A_62 = tpu.memref_slice %arg2[%add3A_36] : memref<204800xi32, #tpu.memory_space<hbm>> -> memref<640xi32, #tpu.memory_space<hbm>>
    tpu.wait_dma2 semaphore(%arg10 : memref<!tpu.dma_semaphore, #tpu.memory_space<semaphore_mem>>) src(%dma_wait3A_62 : memref<640xi32, #tpu.memory_space<hbm>>) dst(%arg5 : memref<640xi32, #tpu.memory_space<vmem>>)
    %dma_wait3A_63 = arith.constant 0 : i32
    %dma_wait3A_64 = tpu.memref_slice %arg4[%add3A_49, %dma_wait3A_63] : memref<204800x128xf32, #tpu.memory_space<hbm>> -> memref<640x64xf32, #tpu.memory_space<hbm>>
    %dma_wait3A_65 = arith.constant 0 : i32
    %dma_wait3A_66 = tpu.memref_slice %arg4[%add3A_49, %dma_wait3A_65] : memref<204800x128xf32, #tpu.memory_space<hbm>> -> memref<640x64xf32, #tpu.memory_space<hbm>>
    tpu.wait_dma2 semaphore(%arg16 : memref<!tpu.dma_semaphore, #tpu.memory_space<semaphore_mem>>) src(%arg9 : memref<640x64xf32, #tpu.memory_space<vmem>>) dst(%dma_wait3A_66 : memref<640x64xf32, #tpu.memory_space<hbm>>)
    %dma_start3A_67 = arith.constant 0 : i32
    %dma_start3A_68 = arith.constant 0 : i32
    %dma_start3A_69 = tpu.memref_slice %arg3[%dma_start3A_67, %dma_start3A_68] : memref<1015808x64xf32, #tpu.memory_space<hbm>> -> memref<1015808x64xf32, #tpu.memory_space<hbm>>
    tpu.enqueue_indirect_dma source(%dma_start3A_69 : memref<1015808x64xf32, #tpu.memory_space<hbm>>) target(%arg9 : memref<640x64xf32, #tpu.memory_space<vmem>>) offsets(%arg5 : memref<640xi32, #tpu.memory_space<vmem>>) semaphore(%arg14 : memref<!tpu.dma_semaphore, #tpu.memory_space<semaphore_mem>>)
    %add3A_70 = arith.constant 1280 : i32
    %add3A_71 = arith.addi %mul3A_2, %add3A_70 : i32
    %dma_start3A_72 = arith.constant 0 : i32
    %dma_start3A_73 = tpu.memref_slice %arg4[%add3A_71, %dma_start3A_72] : memref<204800x128xf32, #tpu.memory_space<hbm>> -> memref<640x64xf32, #tpu.memory_space<hbm>>
    %dma_start3A_74 = arith.constant 0 : i32
    %dma_start3A_75 = tpu.memref_slice %arg4[%add3A_71, %dma_start3A_74] : memref<204800x128xf32, #tpu.memory_space<hbm>> -> memref<640x64xf32, #tpu.memory_space<hbm>>
    tpu.enqueue_dma source(%arg8 : memref<640x64xf32, #tpu.memory_space<vmem>>) target(%dma_start3A_75 : memref<640x64xf32, #tpu.memory_space<hbm>>) target_semaphore(%arg15 : memref<!tpu.dma_semaphore, #tpu.memory_space<semaphore_mem>>)
    %dma_wait3A_76 = arith.constant 0 : i32
    %dma_wait3A_77 = arith.constant 0 : i32
    %dma_wait3A_78 = tpu.memref_slice %arg3[%dma_wait3A_76, %dma_wait3A_77] : memref<1015808x64xf32, #tpu.memory_space<hbm>> -> memref<1015808x64xf32, #tpu.memory_space<hbm>>
    tpu.wait_indirect_dma semaphore(%arg14 : memref<!tpu.dma_semaphore, #tpu.memory_space<semaphore_mem>>) src(%dma_wait3A_78 : memref<1015808x64xf32, #tpu.memory_space<hbm>>) dst(%arg9 : memref<640x64xf32, #tpu.memory_space<vmem>>)
    %add3A_79 = arith.constant 3200 : i32
    %add3A_80 = arith.addi %mul3A_2, %add3A_79 : i32
    %dma_start3A_81 = tpu.memref_slice %arg2[%add3A_80] : memref<204800xi32, #tpu.memory_space<hbm>> -> memref<640xi32, #tpu.memory_space<hbm>>
    %dma_start3A_82 = tpu.memref_slice %arg2[%add3A_80] : memref<204800xi32, #tpu.memory_space<hbm>> -> memref<640xi32, #tpu.memory_space<hbm>>
    tpu.enqueue_dma source(%dma_start3A_82 : memref<640xi32, #tpu.memory_space<hbm>>) target(%arg7 : memref<640xi32, #tpu.memory_space<vmem>>) target_semaphore(%arg12 : memref<!tpu.dma_semaphore, #tpu.memory_space<semaphore_mem>>)
    %dma_wait3A_83 = tpu.memref_slice %arg2[%add3A_58] : memref<204800xi32, #tpu.memory_space<hbm>> -> memref<640xi32, #tpu.memory_space<hbm>>
    %dma_wait3A_84 = tpu.memref_slice %arg2[%add3A_58] : memref<204800xi32, #tpu.memory_space<hbm>> -> memref<640xi32, #tpu.memory_space<hbm>>
    tpu.wait_dma2 semaphore(%arg11 : memref<!tpu.dma_semaphore, #tpu.memory_space<semaphore_mem>>) src(%dma_wait3A_84 : memref<640xi32, #tpu.memory_space<hbm>>) dst(%arg6 : memref<640xi32, #tpu.memory_space<vmem>>)
    %dma_wait3A_85 = arith.constant 0 : i32
    %dma_wait3A_86 = tpu.memref_slice %arg4[%add3A_71, %dma_wait3A_85] : memref<204800x128xf32, #tpu.memory_space<hbm>> -> memref<640x64xf32, #tpu.memory_space<hbm>>
    %dma_wait3A_87 = arith.constant 0 : i32
    %dma_wait3A_88 = tpu.memref_slice %arg4[%add3A_71, %dma_wait3A_87] : memref<204800x128xf32, #tpu.memory_space<hbm>> -> memref<640x64xf32, #tpu.memory_space<hbm>>
    tpu.wait_dma2 semaphore(%arg15 : memref<!tpu.dma_semaphore, #tpu.memory_space<semaphore_mem>>) src(%arg8 : memref<640x64xf32, #tpu.memory_space<vmem>>) dst(%dma_wait3A_88 : memref<640x64xf32, #tpu.memory_space<hbm>>)
    %dma_start3A_89 = arith.constant 0 : i32
    %dma_start3A_90 = arith.constant 0 : i32
    %dma_start3A_91 = tpu.memref_slice %arg3[%dma_start3A_89, %dma_start3A_90] : memref<1015808x64xf32, #tpu.memory_space<hbm>> -> memref<1015808x64xf32, #tpu.memory_space<hbm>>
    tpu.enqueue_indirect_dma source(%dma_start3A_91 : memref<1015808x64xf32, #tpu.memory_space<hbm>>) target(%arg8 : memref<640x64xf32, #tpu.memory_space<vmem>>) offsets(%arg6 : memref<640xi32, #tpu.memory_space<vmem>>) semaphore(%arg13 : memref<!tpu.dma_semaphore, #tpu.memory_space<semaphore_mem>>)
    %add3A_92 = arith.constant 1920 : i32
    %add3A_93 = arith.addi %mul3A_2, %add3A_92 : i32
    %dma_start3A_94 = arith.constant 0 : i32
    %dma_start3A_95 = tpu.memref_slice %arg4[%add3A_93, %dma_start3A_94] : memref<204800x128xf32, #tpu.memory_space<hbm>> -> memref<640x64xf32, #tpu.memory_space<hbm>>
    %dma_start3A_96 = arith.constant 0 : i32
    %dma_start3A_97 = tpu.memref_slice %arg4[%add3A_93, %dma_start3A_96] : memref<204800x128xf32, #tpu.memory_space<hbm>> -> memref<640x64xf32, #tpu.memory_space<hbm>>
    tpu.enqueue_dma source(%arg9 : memref<640x64xf32, #tpu.memory_space<vmem>>) target(%dma_start3A_97 : memref<640x64xf32, #tpu.memory_space<hbm>>) target_semaphore(%arg16 : memref<!tpu.dma_semaphore, #tpu.memory_space<semaphore_mem>>)
    %dma_wait3A_98 = arith.constant 0 : i32
    %dma_wait3A_99 = arith.constant 0 : i32
    %dma_wait3A_100 = tpu.memref_slice %arg3[%dma_wait3A_98, %dma_wait3A_99] : memref<1015808x64xf32, #tpu.memory_space<hbm>> -> memref<1015808x64xf32, #tpu.memory_space<hbm>>
    tpu.wait_indirect_dma semaphore(%arg13 : memref<!tpu.dma_semaphore, #tpu.memory_space<semaphore_mem>>) src(%dma_wait3A_100 : memref<1015808x64xf32, #tpu.memory_space<hbm>>) dst(%arg8 : memref<640x64xf32, #tpu.memory_space<vmem>>)
    %add3A_101 = arith.constant 3840 : i32
    %add3A_102 = arith.addi %mul3A_2, %add3A_101 : i32
    %dma_start3A_103 = tpu.memref_slice %arg2[%add3A_102] : memref<204800xi32, #tpu.memory_space<hbm>> -> memref<640xi32, #tpu.memory_space<hbm>>
    %dma_start3A_104 = tpu.memref_slice %arg2[%add3A_102] : memref<204800xi32, #tpu.memory_space<hbm>> -> memref<640xi32, #tpu.memory_space<hbm>>
    tpu.enqueue_dma source(%dma_start3A_104 : memref<640xi32, #tpu.memory_space<hbm>>) target(%arg5 : memref<640xi32, #tpu.memory_space<vmem>>) target_semaphore(%arg10 : memref<!tpu.dma_semaphore, #tpu.memory_space<semaphore_mem>>)
    %dma_wait3A_105 = tpu.memref_slice %arg2[%add3A_80] : memref<204800xi32, #tpu.memory_space<hbm>> -> memref<640xi32, #tpu.memory_space<hbm>>
    %dma_wait3A_106 = tpu.memref_slice %arg2[%add3A_80] : memref<204800xi32, #tpu.memory_space<hbm>> -> memref<640xi32, #tpu.memory_space<hbm>>
    tpu.wait_dma2 semaphore(%arg12 : memref<!tpu.dma_semaphore, #tpu.memory_space<semaphore_mem>>) src(%dma_wait3A_106 : memref<640xi32, #tpu.memory_space<hbm>>) dst(%arg7 : memref<640xi32, #tpu.memory_space<vmem>>)
    %dma_wait3A_107 = arith.constant 0 : i32
    %dma_wait3A_108 = tpu.memref_slice %arg4[%add3A_93, %dma_wait3A_107] : memref<204800x128xf32, #tpu.memory_space<hbm>> -> memref<640x64xf32, #tpu.memory_space<hbm>>
    %dma_wait3A_109 = arith.constant 0 : i32
    %dma_wait3A_110 = tpu.memref_slice %arg4[%add3A_93, %dma_wait3A_109] : memref<204800x128xf32, #tpu.memory_space<hbm>> -> memref<640x64xf32, #tpu.memory_space<hbm>>
    tpu.wait_dma2 semaphore(%arg16 : memref<!tpu.dma_semaphore, #tpu.memory_space<semaphore_mem>>) src(%arg9 : memref<640x64xf32, #tpu.memory_space<vmem>>) dst(%dma_wait3A_110 : memref<640x64xf32, #tpu.memory_space<hbm>>)
    %dma_start3A_111 = arith.constant 0 : i32
    %dma_start3A_112 = arith.constant 0 : i32
    %dma_start3A_113 = tpu.memref_slice %arg3[%dma_start3A_111, %dma_start3A_112] : memref<1015808x64xf32, #tpu.memory_space<hbm>> -> memref<1015808x64xf32, #tpu.memory_space<hbm>>
    tpu.enqueue_indirect_dma source(%dma_start3A_113 : memref<1015808x64xf32, #tpu.memory_space<hbm>>) target(%arg9 : memref<640x64xf32, #tpu.memory_space<vmem>>) offsets(%arg7 : memref<640xi32, #tpu.memory_space<vmem>>) semaphore(%arg14 : memref<!tpu.dma_semaphore, #tpu.memory_space<semaphore_mem>>)
    %add3A_114 = arith.constant 2560 : i32
    %add3A_115 = arith.addi %mul3A_2, %add3A_114 : i32
    %dma_start3A_116 = arith.constant 0 : i32
    %dma_start3A_117 = tpu.memref_slice %arg4[%add3A_115, %dma_start3A_116] : memref<204800x128xf32, #tpu.memory_space<hbm>> -> memref<640x64xf32, #tpu.memory_space<hbm>>
    %dma_start3A_118 = arith.constant 0 : i32
    %dma_start3A_119 = tpu.memref_slice %arg4[%add3A_115, %dma_start3A_118] : memref<204800x128xf32, #tpu.memory_space<hbm>> -> memref<640x64xf32, #tpu.memory_space<hbm>>
    tpu.enqueue_dma source(%arg8 : memref<640x64xf32, #tpu.memory_space<vmem>>) target(%dma_start3A_119 : memref<640x64xf32, #tpu.memory_space<hbm>>) target_semaphore(%arg15 : memref<!tpu.dma_semaphore, #tpu.memory_space<semaphore_mem>>)
    %dma_wait3A_120 = arith.constant 0 : i32
    %dma_wait3A_121 = arith.constant 0 : i32
    %dma_wait3A_122 = tpu.memref_slice %arg3[%dma_wait3A_120, %dma_wait3A_121] : memref<1015808x64xf32, #tpu.memory_space<hbm>> -> memref<1015808x64xf32, #tpu.memory_space<hbm>>
    tpu.wait_indirect_dma semaphore(%arg14 : memref<!tpu.dma_semaphore, #tpu.memory_space<semaphore_mem>>) src(%dma_wait3A_122 : memref<1015808x64xf32, #tpu.memory_space<hbm>>) dst(%arg9 : memref<640x64xf32, #tpu.memory_space<vmem>>)
    %add3A_123 = arith.constant 4480 : i32
    %add3A_124 = arith.addi %mul3A_2, %add3A_123 : i32
    %dma_start3A_125 = tpu.memref_slice %arg2[%add3A_124] : memref<204800xi32, #tpu.memory_space<hbm>> -> memref<640xi32, #tpu.memory_space<hbm>>
    %dma_start3A_126 = tpu.memref_slice %arg2[%add3A_124] : memref<204800xi32, #tpu.memory_space<hbm>> -> memref<640xi32, #tpu.memory_space<hbm>>
    tpu.enqueue_dma source(%dma_start3A_126 : memref<640xi32, #tpu.memory_space<hbm>>) target(%arg6 : memref<640xi32, #tpu.memory_space<vmem>>) target_semaphore(%arg11 : memref<!tpu.dma_semaphore, #tpu.memory_space<semaphore_mem>>)
    %dma_wait3A_127 = tpu.memref_slice %arg2[%add3A_102] : memref<204800xi32, #tpu.memory_space<hbm>> -> memref<640xi32, #tpu.memory_space<hbm>>
    %dma_wait3A_128 = tpu.memref_slice %arg2[%add3A_102] : memref<204800xi32, #tpu.memory_space<hbm>> -> memref<640xi32, #tpu.memory_space<hbm>>
    tpu.wait_dma2 semaphore(%arg10 : memref<!tpu.dma_semaphore, #tpu.memory_space<semaphore_mem>>) src(%dma_wait3A_128 : memref<640xi32, #tpu.memory_space<hbm>>) dst(%arg5 : memref<640xi32, #tpu.memory_space<vmem>>)
    %dma_wait3A_129 = arith.constant 0 : i32
    %dma_wait3A_130 = tpu.memref_slice %arg4[%add3A_115, %dma_wait3A_129] : memref<204800x128xf32, #tpu.memory_space<hbm>> -> memref<640x64xf32, #tpu.memory_space<hbm>>
    %dma_wait3A_131 = arith.constant 0 : i32
    %dma_wait3A_132 = tpu.memref_slice %arg4[%add3A_115, %dma_wait3A_131] : memref<204800x128xf32, #tpu.memory_space<hbm>> -> memref<640x64xf32, #tpu.memory_space<hbm>>
    tpu.wait_dma2 semaphore(%arg15 : memref<!tpu.dma_semaphore, #tpu.memory_space<semaphore_mem>>) src(%arg8 : memref<640x64xf32, #tpu.memory_space<vmem>>) dst(%dma_wait3A_132 : memref<640x64xf32, #tpu.memory_space<hbm>>)
    %dma_start3A_133 = arith.constant 0 : i32
    %dma_start3A_134 = arith.constant 0 : i32
    %dma_start3A_135 = tpu.memref_slice %arg3[%dma_start3A_133, %dma_start3A_134] : memref<1015808x64xf32, #tpu.memory_space<hbm>> -> memref<1015808x64xf32, #tpu.memory_space<hbm>>
    tpu.enqueue_indirect_dma source(%dma_start3A_135 : memref<1015808x64xf32, #tpu.memory_space<hbm>>) target(%arg8 : memref<640x64xf32, #tpu.memory_space<vmem>>) offsets(%arg5 : memref<640xi32, #tpu.memory_space<vmem>>) semaphore(%arg13 : memref<!tpu.dma_semaphore, #tpu.memory_space<semaphore_mem>>)
    %add3A_136 = arith.constant 3200 : i32
    %add3A_137 = arith.addi %mul3A_2, %add3A_136 : i32
    %dma_start3A_138 = arith.constant 0 : i32
    %dma_start3A_139 = tpu.memref_slice %arg4[%add3A_137, %dma_start3A_138] : memref<204800x128xf32, #tpu.memory_space<hbm>> -> memref<640x64xf32, #tpu.memory_space<hbm>>
    %dma_start3A_140 = arith.constant 0 : i32
    %dma_start3A_141 = tpu.memref_slice %arg4[%add3A_137, %dma_start3A_140] : memref<204800x128xf32, #tpu.memory_space<hbm>> -> memref<640x64xf32, #tpu.memory_space<hbm>>
    tpu.enqueue_dma source(%arg9 : memref<640x64xf32, #tpu.memory_space<vmem>>) target(%dma_start3A_141 : memref<640x64xf32, #tpu.memory_space<hbm>>) target_semaphore(%arg16 : memref<!tpu.dma_semaphore, #tpu.memory_space<semaphore_mem>>)
    %dma_wait3A_142 = arith.constant 0 : i32
    %dma_wait3A_143 = arith.constant 0 : i32
    %dma_wait3A_144 = tpu.memref_slice %arg3[%dma_wait3A_142, %dma_wait3A_143] : memref<1015808x64xf32, #tpu.memory_space<hbm>> -> memref<1015808x64xf32, #tpu.memory_space<hbm>>
    tpu.wait_indirect_dma semaphore(%arg13 : memref<!tpu.dma_semaphore, #tpu.memory_space<semaphore_mem>>) src(%dma_wait3A_144 : memref<1015808x64xf32, #tpu.memory_space<hbm>>) dst(%arg8 : memref<640x64xf32, #tpu.memory_space<vmem>>)
    %add3A_145 = arith.constant 5120 : i32
    %add3A_146 = arith.addi %mul3A_2, %add3A_145 : i32
    %dma_start3A_147 = tpu.memref_slice %arg2[%add3A_146] : memref<204800xi32, #tpu.memory_space<hbm>> -> memref<640xi32, #tpu.memory_space<hbm>>
    %dma_start3A_148 = tpu.memref_slice %arg2[%add3A_146] : memref<204800xi32, #tpu.memory_space<hbm>> -> memref<640xi32, #tpu.memory_space<hbm>>
    tpu.enqueue_dma source(%dma_start3A_148 : memref<640xi32, #tpu.memory_space<hbm>>) target(%arg7 : memref<640xi32, #tpu.memory_space<vmem>>) target_semaphore(%arg12 : memref<!tpu.dma_semaphore, #tpu.memory_space<semaphore_mem>>)
    %dma_wait3A_149 = tpu.memref_slice %arg2[%add3A_124] : memref<204800xi32, #tpu.memory_space<hbm>> -> memref<640xi32, #tpu.memory_space<hbm>>
    %dma_wait3A_150 = tpu.memref_slice %arg2[%add3A_124] : memref<204800xi32, #tpu.memory_space<hbm>> -> memref<640xi32, #tpu.memory_space<hbm>>
    tpu.wait_dma2 semaphore(%arg11 : memref<!tpu.dma_semaphore, #tpu.memory_space<semaphore_mem>>) src(%dma_wait3A_150 : memref<640xi32, #tpu.memory_space<hbm>>) dst(%arg6 : memref<640xi32, #tpu.memory_space<vmem>>)
    %dma_wait3A_151 = arith.constant 0 : i32
    %dma_wait3A_152 = tpu.memref_slice %arg4[%add3A_137, %dma_wait3A_151] : memref<204800x128xf32, #tpu.memory_space<hbm>> -> memref<640x64xf32, #tpu.memory_space<hbm>>
    %dma_wait3A_153 = arith.constant 0 : i32
    %dma_wait3A_154 = tpu.memref_slice %arg4[%add3A_137, %dma_wait3A_153] : memref<204800x128xf32, #tpu.memory_space<hbm>> -> memref<640x64xf32, #tpu.memory_space<hbm>>
    tpu.wait_dma2 semaphore(%arg16 : memref<!tpu.dma_semaphore, #tpu.memory_space<semaphore_mem>>) src(%arg9 : memref<640x64xf32, #tpu.memory_space<vmem>>) dst(%dma_wait3A_154 : memref<640x64xf32, #tpu.memory_space<hbm>>)
    %dma_start3A_155 = arith.constant 0 : i32
    %dma_start3A_156 = arith.constant 0 : i32
    %dma_start3A_157 = tpu.memref_slice %arg3[%dma_start3A_155, %dma_start3A_156] : memref<1015808x64xf32, #tpu.memory_space<hbm>> -> memref<1015808x64xf32, #tpu.memory_space<hbm>>
    tpu.enqueue_indirect_dma source(%dma_start3A_157 : memref<1015808x64xf32, #tpu.memory_space<hbm>>) target(%arg9 : memref<640x64xf32, #tpu.memory_space<vmem>>) offsets(%arg6 : memref<640xi32, #tpu.memory_space<vmem>>) semaphore(%arg14 : memref<!tpu.dma_semaphore, #tpu.memory_space<semaphore_mem>>)
    %add3A_158 = arith.constant 3840 : i32
    %add3A_159 = arith.addi %mul3A_2, %add3A_158 : i32
    %dma_start3A_160 = arith.constant 0 : i32
    %dma_start3A_161 = tpu.memref_slice %arg4[%add3A_159, %dma_start3A_160] : memref<204800x128xf32, #tpu.memory_space<hbm>> -> memref<640x64xf32, #tpu.memory_space<hbm>>
    %dma_start3A_162 = arith.constant 0 : i32
    %dma_start3A_163 = tpu.memref_slice %arg4[%add3A_159, %dma_start3A_162] : memref<204800x128xf32, #tpu.memory_space<hbm>> -> memref<640x64xf32, #tpu.memory_space<hbm>>
    tpu.enqueue_dma source(%arg8 : memref<640x64xf32, #tpu.memory_space<vmem>>) target(%dma_start3A_163 : memref<640x64xf32, #tpu.memory_space<hbm>>) target_semaphore(%arg15 : memref<!tpu.dma_semaphore, #tpu.memory_space<semaphore_mem>>)
    %dma_wait3A_164 = arith.constant 0 : i32
    %dma_wait3A_165 = arith.constant 0 : i32
    %dma_wait3A_166 = tpu.memref_slice %arg3[%dma_wait3A_164, %dma_wait3A_165] : memref<1015808x64xf32, #tpu.memory_space<hbm>> -> memref<1015808x64xf32, #tpu.memory_space<hbm>>
    tpu.wait_indirect_dma semaphore(%arg14 : memref<!tpu.dma_semaphore, #tpu.memory_space<semaphore_mem>>) src(%dma_wait3A_166 : memref<1015808x64xf32, #tpu.memory_space<hbm>>) dst(%arg9 : memref<640x64xf32, #tpu.memory_space<vmem>>)
    %add3A_167 = arith.constant 5760 : i32
    %add3A_168 = arith.addi %mul3A_2, %add3A_167 : i32
    %dma_start3A_169 = tpu.memref_slice %arg2[%add3A_168] : memref<204800xi32, #tpu.memory_space<hbm>> -> memref<640xi32, #tpu.memory_space<hbm>>
    %dma_start3A_170 = tpu.memref_slice %arg2[%add3A_168] : memref<204800xi32, #tpu.memory_space<hbm>> -> memref<640xi32, #tpu.memory_space<hbm>>
    tpu.enqueue_dma source(%dma_start3A_170 : memref<640xi32, #tpu.memory_space<hbm>>) target(%arg5 : memref<640xi32, #tpu.memory_space<vmem>>) target_semaphore(%arg10 : memref<!tpu.dma_semaphore, #tpu.memory_space<semaphore_mem>>)
    %dma_wait3A_171 = tpu.memref_slice %arg2[%add3A_146] : memref<204800xi32, #tpu.memory_space<hbm>> -> memref<640xi32, #tpu.memory_space<hbm>>
    %dma_wait3A_172 = tpu.memref_slice %arg2[%add3A_146] : memref<204800xi32, #tpu.memory_space<hbm>> -> memref<640xi32, #tpu.memory_space<hbm>>
    tpu.wait_dma2 semaphore(%arg12 : memref<!tpu.dma_semaphore, #tpu.memory_space<semaphore_mem>>) src(%dma_wait3A_172 : memref<640xi32, #tpu.memory_space<hbm>>) dst(%arg7 : memref<640xi32, #tpu.memory_space<vmem>>)
    %dma_wait3A_173 = arith.constant 0 : i32
    %dma_wait3A_174 = tpu.memref_slice %arg4[%add3A_159, %dma_wait3A_173] : memref<204800x128xf32, #tpu.memory_space<hbm>> -> memref<640x64xf32, #tpu.memory_space<hbm>>
    %dma_wait3A_175 = arith.constant 0 : i32
    %dma_wait3A_176 = tpu.memref_slice %arg4[%add3A_159, %dma_wait3A_175] : memref<204800x128xf32, #tpu.memory_space<hbm>> -> memref<640x64xf32, #tpu.memory_space<hbm>>
    tpu.wait_dma2 semaphore(%arg15 : memref<!tpu.dma_semaphore, #tpu.memory_space<semaphore_mem>>) src(%arg8 : memref<640x64xf32, #tpu.memory_space<vmem>>) dst(%dma_wait3A_176 : memref<640x64xf32, #tpu.memory_space<hbm>>)
    %dma_start3A_177 = arith.constant 0 : i32
    %dma_start3A_178 = arith.constant 0 : i32
    %dma_start3A_179 = tpu.memref_slice %arg3[%dma_start3A_177, %dma_start3A_178] : memref<1015808x64xf32, #tpu.memory_space<hbm>> -> memref<1015808x64xf32, #tpu.memory_space<hbm>>
    tpu.enqueue_indirect_dma source(%dma_start3A_179 : memref<1015808x64xf32, #tpu.memory_space<hbm>>) target(%arg8 : memref<640x64xf32, #tpu.memory_space<vmem>>) offsets(%arg7 : memref<640xi32, #tpu.memory_space<vmem>>) semaphore(%arg13 : memref<!tpu.dma_semaphore, #tpu.memory_space<semaphore_mem>>)
    %add3A_180 = arith.constant 4480 : i32
    %add3A_181 = arith.addi %mul3A_2, %add3A_180 : i32
    %dma_start3A_182 = arith.constant 0 : i32
    %dma_start3A_183 = tpu.memref_slice %arg4[%add3A_181, %dma_start3A_182] : memref<204800x128xf32, #tpu.memory_space<hbm>> -> memref<640x64xf32, #tpu.memory_space<hbm>>
    %dma_start3A_184 = arith.constant 0 : i32
    %dma_start3A_185 = tpu.memref_slice %arg4[%add3A_181, %dma_start3A_184] : memref<204800x128xf32, #tpu.memory_space<hbm>> -> memref<640x64xf32, #tpu.memory_space<hbm>>
    tpu.enqueue_dma source(%arg9 : memref<640x64xf32, #tpu.memory_space<vmem>>) target(%dma_start3A_185 : memref<640x64xf32, #tpu.memory_space<hbm>>) target_semaphore(%arg16 : memref<!tpu.dma_semaphore, #tpu.memory_space<semaphore_mem>>)
    %dma_wait3A_186 = arith.constant 0 : i32
    %dma_wait3A_187 = arith.constant 0 : i32
    %dma_wait3A_188 = tpu.memref_slice %arg3[%dma_wait3A_186, %dma_wait3A_187] : memref<1015808x64xf32, #tpu.memory_space<hbm>> -> memref<1015808x64xf32, #tpu.memory_space<hbm>>
    tpu.wait_indirect_dma semaphore(%arg13 : memref<!tpu.dma_semaphore, #tpu.memory_space<semaphore_mem>>) src(%dma_wait3A_188 : memref<1015808x64xf32, #tpu.memory_space<hbm>>) dst(%arg8 : memref<640x64xf32, #tpu.memory_space<vmem>>)
    %dma_wait3A_189 = tpu.memref_slice %arg2[%add3A_168] : memref<204800xi32, #tpu.memory_space<hbm>> -> memref<640xi32, #tpu.memory_space<hbm>>
    %dma_wait3A_190 = tpu.memref_slice %arg2[%add3A_168] : memref<204800xi32, #tpu.memory_space<hbm>> -> memref<640xi32, #tpu.memory_space<hbm>>
    tpu.wait_dma2 semaphore(%arg10 : memref<!tpu.dma_semaphore, #tpu.memory_space<semaphore_mem>>) src(%dma_wait3A_190 : memref<640xi32, #tpu.memory_space<hbm>>) dst(%arg5 : memref<640xi32, #tpu.memory_space<vmem>>)
    %dma_wait3A_191 = arith.constant 0 : i32
    %dma_wait3A_192 = tpu.memref_slice %arg4[%add3A_181, %dma_wait3A_191] : memref<204800x128xf32, #tpu.memory_space<hbm>> -> memref<640x64xf32, #tpu.memory_space<hbm>>
    %dma_wait3A_193 = arith.constant 0 : i32
    %dma_wait3A_194 = tpu.memref_slice %arg4[%add3A_181, %dma_wait3A_193] : memref<204800x128xf32, #tpu.memory_space<hbm>> -> memref<640x64xf32, #tpu.memory_space<hbm>>
    tpu.wait_dma2 semaphore(%arg16 : memref<!tpu.dma_semaphore, #tpu.memory_space<semaphore_mem>>) src(%arg9 : memref<640x64xf32, #tpu.memory_space<vmem>>) dst(%dma_wait3A_194 : memref<640x64xf32, #tpu.memory_space<hbm>>)
    %dma_start3A_195 = arith.constant 0 : i32
    %dma_start3A_196 = arith.constant 0 : i32
    %dma_start3A_197 = tpu.memref_slice %arg3[%dma_start3A_195, %dma_start3A_196] : memref<1015808x64xf32, #tpu.memory_space<hbm>> -> memref<1015808x64xf32, #tpu.memory_space<hbm>>
    tpu.enqueue_indirect_dma source(%dma_start3A_197 : memref<1015808x64xf32, #tpu.memory_space<hbm>>) target(%arg9 : memref<640x64xf32, #tpu.memory_space<vmem>>) offsets(%arg5 : memref<640xi32, #tpu.memory_space<vmem>>) semaphore(%arg14 : memref<!tpu.dma_semaphore, #tpu.memory_space<semaphore_mem>>)
    %add3A_198 = arith.constant 5120 : i32
    %add3A_199 = arith.addi %mul3A_2, %add3A_198 : i32
    %dma_start3A_200 = arith.constant 0 : i32
    %dma_start3A_201 = tpu.memref_slice %arg4[%add3A_199, %dma_start3A_200] : memref<204800x128xf32, #tpu.memory_space<hbm>> -> memref<640x64xf32, #tpu.memory_space<hbm>>
    %dma_start3A_202 = arith.constant 0 : i32
    %dma_start3A_203 = tpu.memref_slice %arg4[%add3A_199, %dma_start3A_202] : memref<204800x128xf32, #tpu.memory_space<hbm>> -> memref<640x64xf32, #tpu.memory_space<hbm>>
    tpu.enqueue_dma source(%arg8 : memref<640x64xf32, #tpu.memory_space<vmem>>) target(%dma_start3A_203 : memref<640x64xf32, #tpu.memory_space<hbm>>) target_semaphore(%arg15 : memref<!tpu.dma_semaphore, #tpu.memory_space<semaphore_mem>>)
    %dma_wait3A_204 = arith.constant 0 : i32
    %dma_wait3A_205 = arith.constant 0 : i32
    %dma_wait3A_206 = tpu.memref_slice %arg3[%dma_wait3A_204, %dma_wait3A_205] : memref<1015808x64xf32, #tpu.memory_space<hbm>> -> memref<1015808x64xf32, #tpu.memory_space<hbm>>
    tpu.wait_indirect_dma semaphore(%arg14 : memref<!tpu.dma_semaphore, #tpu.memory_space<semaphore_mem>>) src(%dma_wait3A_206 : memref<1015808x64xf32, #tpu.memory_space<hbm>>) dst(%arg9 : memref<640x64xf32, #tpu.memory_space<vmem>>)
    %add3A_207 = arith.constant 5760 : i32
    %add3A_208 = arith.addi %mul3A_2, %add3A_207 : i32
    %dma_start3A_209 = arith.constant 0 : i32
    %dma_start3A_210 = tpu.memref_slice %arg4[%add3A_208, %dma_start3A_209] : memref<204800x128xf32, #tpu.memory_space<hbm>> -> memref<640x64xf32, #tpu.memory_space<hbm>>
    %dma_start3A_211 = arith.constant 0 : i32
    %dma_start3A_212 = tpu.memref_slice %arg4[%add3A_208, %dma_start3A_211] : memref<204800x128xf32, #tpu.memory_space<hbm>> -> memref<640x64xf32, #tpu.memory_space<hbm>>
    tpu.enqueue_dma source(%arg9 : memref<640x64xf32, #tpu.memory_space<vmem>>) target(%dma_start3A_212 : memref<640x64xf32, #tpu.memory_space<hbm>>) target_semaphore(%arg16 : memref<!tpu.dma_semaphore, #tpu.memory_space<semaphore_mem>>)
    %dma_wait3A_213 = arith.constant 0 : i32
    %dma_wait3A_214 = tpu.memref_slice %arg4[%add3A_199, %dma_wait3A_213] : memref<204800x128xf32, #tpu.memory_space<hbm>> -> memref<640x64xf32, #tpu.memory_space<hbm>>
    %dma_wait3A_215 = arith.constant 0 : i32
    %dma_wait3A_216 = tpu.memref_slice %arg4[%add3A_199, %dma_wait3A_215] : memref<204800x128xf32, #tpu.memory_space<hbm>> -> memref<640x64xf32, #tpu.memory_space<hbm>>
    tpu.wait_dma2 semaphore(%arg15 : memref<!tpu.dma_semaphore, #tpu.memory_space<semaphore_mem>>) src(%arg8 : memref<640x64xf32, #tpu.memory_space<vmem>>) dst(%dma_wait3A_216 : memref<640x64xf32, #tpu.memory_space<hbm>>)
    %dma_wait3A_217 = arith.constant 0 : i32
    %dma_wait3A_218 = tpu.memref_slice %arg4[%add3A_208, %dma_wait3A_217] : memref<204800x128xf32, #tpu.memory_space<hbm>> -> memref<640x64xf32, #tpu.memory_space<hbm>>
    %dma_wait3A_219 = arith.constant 0 : i32
    %dma_wait3A_220 = tpu.memref_slice %arg4[%add3A_208, %dma_wait3A_219] : memref<204800x128xf32, #tpu.memory_space<hbm>> -> memref<640x64xf32, #tpu.memory_space<hbm>>
    tpu.wait_dma2 semaphore(%arg16 : memref<!tpu.dma_semaphore, #tpu.memory_space<semaphore_mem>>) src(%arg9 : memref<640x64xf32, #tpu.memory_space<vmem>>) dst(%dma_wait3A_220 : memref<640x64xf32, #tpu.memory_space<hbm>>)
    return
  }
}

</mosaic_0001>

<sc_bundles>
// kernel: _sc_embed.3.cloned.1.call-start
scs
__scs_entry_jumppad:
0x0: {  	(pc) =	sbr.rel $0x88, $3  }
0x1: {  	(tag) =	ssettag $0x0;
	lr =	simm.s32 $0x1  }
0x2: {  	[smem:$0x3F9F] =	sst lr;
	_ =	strace $0xD0000000  }
0x3: {  	_ = 	snop  }
0x4: {  	_ = 	snop  }
0x5: {  	_ = 	snop  }
0x6: {  	_ = 	snop  }
0x7: {  	_ = 	snop  }
__scs_overlays_trampoline_lowered:
0x8: {  	[smem:$0x3FAE] =	sst s0  }
0x9: {  	[smem:$0x3FAF] =	sst s1  }
0xa: {  	[smem:$0x3FB0] =	sst s2  }
0xb: {  	[smem:$0x3FB1] =	sst s3  }
0xc: {  	[smem:$0x3FB2] =	sst s4  }
0xd: {  	[smem:$0x3FB3] =	sst s5  }
0xe: {  	[smem:$0x3FB4] =	sst s6  }
0xf: {  	[smem:$0x3FB5] =	sst s7  }
0x10: {  	[smem:$0x3FB6] =	sst s8  }
0x11: {  	[smem:$0x3FB7] =	sst s9;
	s0 =	simm.s32 @!p0 $0x0  }
0x12: {  	s1 =	sld [smem:$0x3F9D];
	s0 =	simm.s32 @p0 $0x1  }
0x13: {  	[smem:$0x3FB8] =	sst s0;
	s0 =	simm.s32 @!p1 $0x0  }
0x14: {  	s2 =	sld [smem:$0x3F9C];
	s0 =	simm.s32 @p1 $0x1  }
0x15: {  	[smem:$0x3FB9] =	sst s0;
	s0 =	simm.s32 @!p2 $0x0  }
0x16: {  	s3 =	sld [smem:$0x3FDB];
	s0 =	simm.s32 @p2 $0x1  }
0x17: {  	s4 =	simm.s32 $0x1BF5;
	[smem:$0x3FBB] =	sst s0  }
0x18: {  	s0 =	sld [smem:$0x3F9E];
	_ =	swait.ge [sflag:s4], $0x0  }
0x19: {  	s7 =	sld [smem:$0x3F9F]  }
0x1a: {  	s8 =	sadd.s32 $0xFFFFE003, lr  }
0x1b: {  	s9 =	sadd.s32 $0xFFFFFEF7, lr;
	s5 =	simm.s32 $0xFFFFFFFF;
	p2 =	slt.u32 s8, $0xFFFFF086  }
0x1c: {  	p1 =	slt.u32 s9, $0xF7A;
	s5 =	simm.s32 @!p2 $0x0  }
0x1d: {  	s5 =	simm.s32 @p1 $0x1;
	p0 =	seq.s32 s7, s2  }
0x1e: {  	s7 =	smul.u32 @!p0 $0xF7A, s2;
	p2 =	seq.s32 @!p0 s5, $0x0  }
0x1f: {  	s9 =	smul.u32 $0xF7A, s1;
	s8 =	simm.s32 @!p0 $0x1BF5;
	p2 =	por !p2, p0  }
0x20: {  	[sflag:s8] =	ssyncset.s32 @!p0 $0xFFFFF086;
	s6 =	sadd.s32 @!p0 s3, s7;
	s7 =	simm.s32 @!p0 $0x108  }
0x21: {  	s3 =	sadd.s32 s3, s9;
	s6 =	sadd.s32 @!p0 $0x88, s6;
	s7 =	simm.s32 @p2 $0x1082  }
0x22: {  	[simem:s7], [sflag:s8] =	dma.local @!p0 [hbm:s6], $0xF7A  }
0x23: {  	s9 =	sor.u32 $0xD0000000, s2;
	s6 =	simm.s32 $0x108;
	_ =	swait.ge @!p0 [sflag:s8], $0x0  }
0x24: {  	s3 =	sadd.s32 $0x88, s3;
	s6 =	simm.s32 @!p1 $0x1082;
	[sflag:s4] =	ssyncset.s32 $0xFFFFF086  }
0x25: {  	[simem:s6], [sflag:s4] =	dma.local [hbm:s3], $0xF7A  }
0x26: {  	[smem:$0x3F9F] =	sst s1;
	(tag) =	ssettag s2;
	_ =	strace s9  }
0x27: {  	s1 =	sld [smem:$0x3FAF]  }
0x28: {  	s2 =	sld [smem:$0x3FB0]  }
0x29: {  	s4 =	sld [smem:$0x3FB2]  }
0x2a: {  	p0 =	seq.s32 s5, $0x0;
	s5 =	sld [smem:$0x3FB3]  }
0x2b: {  	s6 =	sld [smem:$0x3FB4]  }
0x2c: {  	s7 =	sld [smem:$0x3FB5]  }
0x2d: {  	s3 =	simm.s32 $0x108;
	s8 =	sld [smem:$0x3FB6]  }
0x2e: {  	s3 =	simm.s32 @!p0 $0x1082;
	s9 =	sld [smem:$0x3FB7]  }
0x2f: {  	lr =	sadd.s32 s0, s3;
	s0 =	sld [smem:$0x3FAE]  }
0x30: {  	s3 =	sld [smem:$0x3FB1]  }
0x31: {  	[smem:$0x3FBA] =	sst s10  }
0x32: {  	s10 =	sld [smem:$0x3FB8];
	_ =	sdelay $0x3  }
0x33: {  	p0 =	seq.s32 s10, $0x1;
	s10 =	sld [smem:$0x3FBA];
	_ =	sdelay $0x3  }
0x34: {  	[smem:$0x3FBA] =	sst s10  }
0x35: {  	s10 =	sld [smem:$0x3FB9];
	_ =	sdelay $0x3  }
0x36: {  	p1 =	seq.s32 s10, $0x1;
	s10 =	sld [smem:$0x3FBA];
	_ =	sdelay $0x3  }
0x37: {  	[smem:$0x3FBA] =	sst s10  }
0x38: {  	s10 =	sld [smem:$0x3FBB]  }
0x39: {  	_ = 	snop;
	(pc) =	sbr.ind lr, $3  }
0x3a: {  	_ = 	snop  }
0x3b: {  	_ = 	snop  }
0x3c: {  	p2 =	seq.s32 s10, $0x1;
	s10 =	sld [smem:$0x3FBA]  }
0x3d: {  	_ =	shalt  }
0x3e: {  	_ =	shalt  }
0x3f: {  	_ =	shalt  }
0x40: {  	_ =	shalt  }
0x41: {  	_ =	shalt  }
0x42: {  	_ =	shalt  }
0x43: {  	_ =	shalt  }
0x44: {  	_ =	shalt  }
0x45: {  	_ =	shalt  }
0x46: {  	_ =	shalt  }
0x47: {  	_ =	shalt  }
0x48: {  	_ =	shalt  }
0x49: {  	_ =	shalt  }
0x4a: {  	_ =	shalt  }
0x4b: {  	_ =	shalt  }
0x4c: {  	_ =	shalt  }
0x4d: {  	_ =	shalt  }
0x4e: {  	_ =	shalt  }
0x4f: {  	_ =	shalt  }
0x50: {  	_ =	shalt  }
0x51: {  	_ =	shalt  }
0x52: {  	_ =	shalt  }
0x53: {  	_ =	shalt  }
0x54: {  	_ =	shalt  }
0x55: {  	_ =	shalt  }
0x56: {  	_ =	shalt  }
0x57: {  	_ =	shalt  }
0x58: {  	_ =	shalt  }
0x59: {  	_ =	shalt  }
0x5a: {  	_ =	shalt  }
0x5b: {  	_ =	shalt  }
0x5c: {  	_ =	shalt  }
0x5d: {  	_ =	shalt  }
0x5e: {  	_ =	shalt  }
0x5f: {  	_ =	shalt  }
0x60: {  	_ =	shalt  }
0x61: {  	_ =	shalt  }
0x62: {  	_ =	shalt  }
0x63: {  	_ =	shalt  }
0x64: {  	_ =	shalt  }
0x65: {  	_ =	shalt  }
0x66: {  	_ =	shalt  }
0x67: {  	_ =	shalt  }
0x68: {  	_ =	shalt  }
0x69: {  	_ =	shalt  }
0x6a: {  	_ =	shalt  }
0x6b: {  	_ =	shalt  }
0x6c: {  	_ =	shalt  }
0x6d: {  	_ =	shalt  }
0x6e: {  	_ =	shalt  }
0x6f: {  	_ =	shalt  }
0x70: {  	_ =	shalt  }
0x71: {  	_ =	shalt  }
0x72: {  	_ =	shalt  }
0x73: {  	_ =	shalt  }
0x74: {  	_ =	shalt  }
0x75: {  	_ =	shalt  }
0x76: {  	_ =	shalt  }
0x77: {  	_ =	shalt  }
0x78: {  	_ =	shalt  }
0x79: {  	_ =	shalt  }
0x7a: {  	_ =	shalt  }
0x7b: {  	_ =	shalt  }
0x7c: {  	_ =	shalt  }
0x7d: {  	_ =	shalt  }
0x7e: {  	_ =	shalt  }
0x7f: {  	_ =	shalt  }
0x80: {  	_ =	shalt  }
0x81: {  	_ =	shalt  }
0x82: {  	_ =	shalt  }
0x83: {  	_ =	shalt  }
0x84: {  	_ =	shalt  }
0x85: {  	_ =	shalt  }
0x86: {  	_ =	shalt  }
0x87: {  	_ =	shalt  }
.Lfunc_end0:
.L_simem_size_0:
called_computation_lowered:
.L_overlay_start_0:
0x88: {  	s2 =	sld [smem:$0x3FD9]  }
0x89: {  	s3 =	sld [smem:$0x3FFE];
	_ =	sdelay $0x1  }
0x8a: {  	s1 =	srdreg.scid  }
0x8b: {  	s0 =	sand.u32 $0x1, s1  }
0x8c: {  	s17 =	sshll.u32 s0, $0xA;
	s2 =	sadd.s32 s3, s2  }
0x8d: {  	s2 =	sadd.s32 s2, s17  }
0x8e: {  	[smem:$0x3FC6] =	sst s2  }
0x8f: {  	_ = 	snop  }
0x90: {  	s2 =	sld [smem:$0x3FC9]  }
0x91: {  	s18 =	sld [smem:$0x3FD0];
	(tm) =	ssettm $0x1  }
0x92: {  	s4 =	sld [smem:$0x3FFB];
	_ =	sdelay $0x3  }
0x93: {  	_ =	strace s4  }
0x94: {  	s4 =	sld [smem:$0x3FFC];
	_ =	sdelay $0x3  }
0x95: {  	_ =	strace s4  }
0x96: {  	s4 =	sld [smem:$0x3FFD];
	_ =	sdelay $0x3  }
0x97: {  	_ =	strace s4  }
0x98: {  	_ =	strace $0x8FFFFFFF  }
0x99: {  	s19 =	sld [smem:$0x3FDB];
	_ =	sdelay $0x1  }
0x9a: {  	s5 =	simm.s32 $_scs_section_size  }
0x9b: {  	s6 =	simm.s32 $_size__tile_overlayer_lowered;
	s7 =	simm.s32 $_tile_overlayer_lowered  }
0x9c: {  	s22 =	simm.s32 $0x1BFF;
	s21 =	sshll.u32 s7, $0x1;
	s4 =	sadd.s32 s5, s19  }
0x9d: {  	s8 =	simm.s32 $0x0;
	s20 =	sshll.u32 s6, $0x1;
	s6 =	sadd.s32 s21, s4  }
0x9e: {  	[timem:s8], [sflag:s22] =	dma.local [hbm:s6], s20  }
0x9f: {  	_ =	swait.ge [sflag:s22], s20  }
0xa0: {  	s5 =	ssub.s32 $0x0, s20;
	[sflag:s22] =	ssyncset.done $0x0  }
0xa1: {  	[sflag:s22] =	ssyncadd.s32 s5;
	_ =	sdelay $0x1  }
0xa2: {  	s23 =	simm.s32 $0x1B8B  }
0xa3: {  	_ =	swait.ge [sflag:s23], $0x1  }
0xa4: {  	[sflag:s23] =	ssyncset.done $0x0  }
0xa5: {  	s25 =	simm.s32 $0x1B8E;
	s24 =	sld [smem:$0x3FFE];
	[sflag:s23] =	ssyncadd.s32 $0xFFFFFFFF  }
0xa6: {  	s26 =	simm.s32 $execute0_lowered;
	[smem:$0x3FD2] =	sst s25  }
0xa7: {  	s6 =	sshll.u32 s26, $0x1;
	_ =	strace $0x80000046;
	[dreg:$0x1] =	wrdreg $0xFFFFFFFF  }
0xa8: {  	s28 =	simm.s32 $_size_execute0_lowered;
	s4 =	sadd.s32 s4, s6;
	[dreg:$0x0] =	wrdreg $0x0  }
0xa9: {  	s6 =	sshll.u32 s28, $0x1;
	[dreg:$0x2] =	wrdreg s4  }
0xaa: {  	[dreg:$0x3] =	wrdreg s6  }
0xab: {  	[dreg:$0x4] =	wrdreg $0xC0  }
0xac: {  	_ =	task [dreg:s8], $0x5FFFF  }
0xad: {  	[dreg:$0x1] =	wrdreg $0xFFFFFFFF  }
0xae: {  	[dreg:$0x0] =	wrdreg $0x60  }
0xaf: {  	[dreg:$0x2] =	wrdreg s2  }
0xb0: {  	[dreg:$0x3] =	wrdreg s24  }
0xb1: {  	[dreg:$0x4] =	wrdreg s18  }
0xb2: {  	[dreg:$0x5] =	wrdreg $0x9  }
0xb3: {  	_ =	task.clear_ibuf [dreg:s8], $0x6FFFF;
	_ =	strace $0x90000046  }
0xb4: {  	s29 =	simm.s32 $0x9;
	_ =	strace $0x80000048  }
0xb5: {  	_ =	swait.ge [sflag:s29], $0x1  }
0xb6: {  	[sflag:s29] =	ssyncadd.s32 $0xFFFFFFFF  }
0xb7: {  	_ =	strace $0x90000048  }
0xb8: {  	_ =	sfence  }
0xb9: {  	s30 =	sld [smem:$0x0];
	_ =	sdelay $0x2  }
0xba: {  	s31 =	sshll.u32 s1, $0xD;
	s1 =	sshrl.u32 s1, $0x2  }
0xbb: {  	s3 =	sand.u32 $0x4000, s31;
	s1 =	sadd.s32 s1, s30  }
0xbc: {  	s0 =	sor.u32 s3, s0;
	s1 =	sshll.u32 s1, $0x11  }
0xbd: {  	s0 =	sor.u32 s1, s0  }
0xbe: {  	s0 =	sadd.s32 $0x8F2B, s0  }
0xbf: {  	[sflag:s0] =	ssyncadd.remote.s32 $0x1  }
0xc0: {  	_ =	sfence.sel $0xFFFF  }
0xc1: {  	[dreg:$0x0] =	wrdreg $0xFFFFFFFF;
	(pc) =	sbr.abs _section_cstart, $3  }
0xc2: {  	[dreg:$0x1] =	wrdreg $0xFFFFFFFF  }
0xc3: {  	_ =	task.clear_ibuf [dreg:s8], $0x2FFFF;
	_ =	strace $0x9FFFFFFF  }
0xc4: {  	(tm) =	ssettm $0x7FFFFFFF  }
0xc5: {  	_ =	shalt  }
tec
execute0_lowered:
.L_overlay_start_1:
0x0: {  	(tag) =	ssettag $0x1  }
0x1: {  	s4 =	rddreg [dreg:$0x0]  }
0x2: {  	s3 =	rddreg [dreg:$0x1];
	s2 =	srdreg.scid  }
0x3: {  	s0 =	stileid.u32;
	s1 =	rddreg [dreg:$0x2]  }
0x4: {  	p0 =	por $0x0, $0x0;
	s5 =	sand.u32 $0x1, s2;
	s6 =	sshll.u32 s0, $0x1  }
0x5: {  	s2 =	simm.s32 $0x0;
	s3 =	sadd.s32 $0xF80400, s3;
	s6 =	sor.u32 s5, s6  }
0x6: {  	[smem:$0x7FF] =	sst s2;
	s5 =	ssub.s32 $0x2, s5;
	s7 =	smul.u32 $0x1900, s6  }
0x7: {  	_ =	strace $0x80000047;
	s8 =	sshrl.u32 s5, $0x1;
	s6 =	smul.u32 $0x19000, s6  }
0x8: {  	s8 =	ssub.s32 s5, s8;
	s9 =	sshrl.u32 s7, $0x3;
	s26 =	sadd.s32 $0x280, s7  }
0x9: {  	s10 =	sadd.s32 $0x500, s7;
	s12 =	sadd.s32 $0x780, s7;
	s13 =	sadd.s32 s1, s6  }
0xa: {  	s18 =	sadd.s32 $0xA00, s7;
	s21 =	sadd.s32 $0xC80, s7;
	s24 =	sadd.s32 $0xF00, s7  }
0xb: {  	s25 =	sadd.s32 s4, s9;
	s0 =	sshrl.u32 s26, $0x3;
	s11 =	sshrl.u32 s10, $0x3  }
0xc: {  	s14 =	sshrl.u32 s12, $0x3;
	[dreg:$0x7] =	wrdreg s13;
	s16 =	sshll.u32 s26, $0x4  }
0xd: {  	s19 =	sshrl.u32 s18, $0x3;
	s20 =	sshll.u32 s10, $0x4;
	s22 =	sshrl.u32 s21, $0x3  }
0xe: {  	s23 =	sshll.u32 s12, $0x4;
	s26 =	sshrl.u32 s24, $0x3;
	s6 =	sshll.u32 s18, $0x4  }
0xf: {  	s13 =	sadd.s32 $0x1400, s7;
	s9 =	simm.s32 $0x7;
	[dreg:$0x4] =	wrdreg s25  }
0x10: {  	s5 =	sadd.s32 s4, s0;
	s11 =	sadd.s32 s4, s11;
	s15 =	sadd.s32 s4, s14  }
0x11: {  	s17 =	sadd.s32 s1, s16;
	s31 =	sadd.s32 s4, s19;
	s29 =	sadd.s32 s1, s20  }
0x12: {  	s30 =	sadd.s32 s4, s22;
	s28 =	sadd.s32 s1, s23;
	s25 =	sadd.s32 s4, s26  }
0x13: {  	s0 =	sadd.s32 $0x1180, s7;
	s23 =	sadd.s32 s1, s6;
	[dreg:$0x5] =	wrdreg s5  }
0x14: {  	s14 =	sshrl.u32 s13, $0x3;
	s7 =	sadd.s32 $0x1680, s7;
	[dreg:$0x6] =	wrdreg s11  }
0x15: {  	s6 =	simm.s32 $0x280;
	s26 =	simm.s32 $0x2;
	[dreg:$0x8] =	wrdreg s15  }
0x16: {  	[dreg:$0x9] =	wrdreg s17;
	s12 =	sshrl.u32 s0, $0x3;
	s5 =	sshll.u32 s21, $0x4  }
0x17: {  	s15 =	sshll.u32 s24, $0x4;
	s21 =	sadd.s32 s4, s14;
	s16 =	sshrl.u32 s7, $0x3  }
0x18: {  	s17 =	sshll.u32 s0, $0x4;
	s19 =	sshll.u32 s7, $0x4;
	s24 =	smax.u32 s8, $0x1  }
0x19: {  	s11 =	simm.s32 $0x1;
	s7 =	simm.s32 $0x780;
	s8 =	simm.s32 $0xA780  }
0x1a: {  	s14 =	simm.s32 $0x6;
	s22 =	sadd.s32 s4, s12;
	p1 =	sne.s32 s24, $0x1  }
.Ltmp0:
0x1b: {  	s20 =	sadd.s32 s1, s5;
	s18 =	sadd.s32 s1, s15;
	(pc) =	sbr.rel @!p1 .LBB2_3-.Ltmp0, $4  }
0x1c: {  	s16 =	sadd.s32 s4, s16;
	s5 =	sshll.u32 s13, $0x4;
	s10 =	sadd.s32 s1, s17  }
0x1d: {  	s4 =	sadd.s32 s1, s19;
	s17 =	simm.s32 $0x4;
	s19 =	simm.s32 $0x500  }
0x1e: {  	s0 =	sadd.s32 $0xFFFFFFFF, s24;
	s12 =	simm.s32 $0x40;
	s13 =	simm.s32 $0x80  }
0x1f: {  	s15 =	simm.s32 $0x5;
	s24 =	simm.s32 $0x3;
	s5 =	sadd.s32 s1, s5  }
0x20: {  	[dreg:$0xa] =	wrdreg s0  }
0x21: {  	s0 =	rddreg [dreg:$0x4]  }
0x22: {  	[tilespmem:s2], [sflag:$0x1] =	stream.linear.gather [hbm4b:s0+s2], $0x280, $0x38;
	[tilespmem:$0x14780] =	vst v63  }
0x23: {  	s1 =	rddreg [dreg:$0x5]  }
0x24: {  	[tilespmem:s6], [sflag:$0x2] =	stream.linear.gather [hbm4b:s1+s2], $0x280, $0x38;
	[tilespmem:$0x14780] =	vst v63  }
0x25: {  	_ =	swait.ge [sflag:s11], $0x280  }
0x26: {  	[sflag:s11] =	ssyncset.done $0x0  }
0x27: {  	[sflag:s11] =	ssyncadd.s32 $0xFFFFFD80  }
0x28: {  	[tilespmem:s7], [sflag:$0x4] =	stream.indirect.gather [hbm4b:s3+s6], $0x40, s2, s6, $0xb8;
	[tilespmem:$0x14780] =	vst v63  }
0x29: {  	_ =	swait.ge [sflag:s17], $0xA000  }
0x2a: {  	[sflag:s17] =	ssyncset.done $0x0  }
0x2b: {  	s1 =	rddreg [dreg:$0x6];
	[sflag:s17] =	ssyncadd.s32 $0xFFFF6000  }
0x2c: {  	[tilespmem:s19], [sflag:$0x3] =	stream.linear.gather [hbm4b:s1+s2], $0x280, $0x38;
	[tilespmem:$0x14780] =	vst v63  }
0x2d: {  	_ =	swait.ge [sflag:s26], $0x280  }
0x2e: {  	[sflag:s26] =	ssyncset.done $0x0  }
0x2f: {  	[sflag:s26] =	ssyncadd.s32 $0xFFFFFD80  }
0x30: {  	[tilespmem:s8], [sflag:$0x5] =	stream.indirect.gather [hbm4b:s3+s6], $0x40, s6, s6, $0xb8;
	[tilespmem:$0x14780] =	vst v63  }
0x31: {  	s1 =	rddreg [dreg:$0x7]  }
0x32: {  	[hbm4b:s1+s12] =	stream.strided.scatter [tilespmem:s7], [sflag:$0x6], $0xA000, s13, s12, $0x38;
	[tilespmem:$0x14780] =	vst v63  }
0x33: {  	_ =	swait.ge [sflag:s15], $0xA000  }
0x34: {  	[sflag:s15] =	ssyncset.done $0x0  }
0x35: {  	s1 =	rddreg [dreg:$0x8];
	[sflag:s15] =	ssyncadd.s32 $0xFFFF6000  }
0x36: {  	[tilespmem:s2], [sflag:$0x1] =	stream.linear.gather [hbm4b:s1+s2], $0x280, $0x38;
	[tilespmem:$0x14780] =	vst v63  }
0x37: {  	_ =	swait.ge [sflag:s24], $0x280  }
0x38: {  	[sflag:s24] =	ssyncset.done $0x0  }
0x39: {  	[sflag:s24] =	ssyncadd.s32 $0xFFFFFD80  }
0x3a: {  	_ =	swait.ge [sflag:s14], $0xA000  }
0x3b: {  	[sflag:s14] =	ssyncset.done $0x0  }
0x3c: {  	[sflag:s14] =	ssyncadd.s32 $0xFFFF6000  }
0x3d: {  	[tilespmem:s7], [sflag:$0x4] =	stream.indirect.gather [hbm4b:s3+s6], $0x40, s19, s6, $0xb8;
	[tilespmem:$0x14780] =	vst v63  }
0x3e: {  	s1 =	rddreg [dreg:$0x9]  }
0x3f: {  	[hbm4b:s1+s12] =	stream.strided.scatter [tilespmem:s8], [sflag:$0x7], $0xA000, s13, s12, $0x38;
	[tilespmem:$0x14780] =	vst v63  }
0x40: {  	_ =	swait.ge [sflag:s17], $0xA000  }
0x41: {  	[sflag:s17] =	ssyncset.done $0x0  }
0x42: {  	[sflag:s17] =	ssyncadd.s32 $0xFFFF6000  }
0x43: {  	[tilespmem:s6], [sflag:$0x2] =	stream.linear.gather [hbm4b:s31+s2], $0x280, $0x38;
	[tilespmem:$0x14780] =	vst v63  }
0x44: {  	_ =	swait.ge [sflag:s11], $0x280  }
0x45: {  	[sflag:s11] =	ssyncset.done $0x0  }
0x46: {  	[sflag:s11] =	ssyncadd.s32 $0xFFFFFD80  }
0x47: {  	_ =	swait.ge [sflag:s9], $0xA000  }
0x48: {  	[sflag:s9] =	ssyncset.done $0x0  }
0x49: {  	[sflag:s9] =	ssyncadd.s32 $0xFFFF6000  }
0x4a: {  	[tilespmem:s8], [sflag:$0x5] =	stream.indirect.gather [hbm4b:s3+s6], $0x40, s2, s6, $0xb8;
	[tilespmem:$0x14780] =	vst v63  }
0x4b: {  	_ = 	snop  }
0x4c: {  	[hbm4b:s29+s12] =	stream.strided.scatter [tilespmem:s7], [sflag:$0x6], $0xA000, s13, s12, $0x38;
	[tilespmem:$0x14780] =	vst v63  }
0x4d: {  	_ =	swait.ge [sflag:s15], $0xA000  }
0x4e: {  	[sflag:s15] =	ssyncset.done $0x0  }
0x4f: {  	[sflag:s15] =	ssyncadd.s32 $0xFFFF6000  }
0x50: {  	[tilespmem:s19], [sflag:$0x3] =	stream.linear.gather [hbm4b:s30+s2], $0x280, $0x38;
	[tilespmem:$0x14780] =	vst v63  }
0x51: {  	_ =	swait.ge [sflag:s26], $0x280  }
0x52: {  	[sflag:s26] =	ssyncset.done $0x0  }
0x53: {  	[sflag:s26] =	ssyncadd.s32 $0xFFFFFD80  }
0x54: {  	_ =	swait.ge [sflag:s14], $0xA000  }
0x55: {  	[sflag:s14] =	ssyncset.done $0x0  }
0x56: {  	[sflag:s14] =	ssyncadd.s32 $0xFFFF6000  }
0x57: {  	[tilespmem:s7], [sflag:$0x4] =	stream.indirect.gather [hbm4b:s3+s6], $0x40, s6, s6, $0xb8;
	[tilespmem:$0x14780] =	vst v63  }
0x58: {  	_ = 	snop  }
0x59: {  	[hbm4b:s28+s12] =	stream.strided.scatter [tilespmem:s8], [sflag:$0x7], $0xA000, s13, s12, $0x38;
	[tilespmem:$0x14780] =	vst v63  }
0x5a: {  	_ =	swait.ge [sflag:s17], $0xA000  }
0x5b: {  	[sflag:s17] =	ssyncset.done $0x0  }
0x5c: {  	[sflag:s17] =	ssyncadd.s32 $0xFFFF6000  }
0x5d: {  	[tilespmem:s2], [sflag:$0x1] =	stream.linear.gather [hbm4b:s25+s2], $0x280, $0x38;
	[tilespmem:$0x14780] =	vst v63  }
0x5e: {  	_ =	swait.ge [sflag:s24], $0x280  }
0x5f: {  	[sflag:s24] =	ssyncset.done $0x0  }
0x60: {  	[sflag:s24] =	ssyncadd.s32 $0xFFFFFD80  }
0x61: {  	_ =	swait.ge [sflag:s9], $0xA000  }
0x62: {  	[sflag:s9] =	ssyncset.done $0x0  }
0x63: {  	[sflag:s9] =	ssyncadd.s32 $0xFFFF6000  }
0x64: {  	[tilespmem:s8], [sflag:$0x5] =	stream.indirect.gather [hbm4b:s3+s6], $0x40, s19, s6, $0xb8;
	[tilespmem:$0x14780] =	vst v63  }
0x65: {  	_ = 	snop  }
0x66: {  	[hbm4b:s23+s12] =	stream.strided.scatter [tilespmem:s7], [sflag:$0x6], $0xA000, s13, s12, $0x38;
	[tilespmem:$0x14780] =	vst v63  }
0x67: {  	_ =	swait.ge [sflag:s15], $0xA000  }
0x68: {  	[sflag:s15] =	ssyncset.done $0x0  }
0x69: {  	[sflag:s15] =	ssyncadd.s32 $0xFFFF6000  }
0x6a: {  	[tilespmem:s6], [sflag:$0x2] =	stream.linear.gather [hbm4b:s22+s2], $0x280, $0x38;
	[tilespmem:$0x14780] =	vst v63  }
0x6b: {  	_ =	swait.ge [sflag:s11], $0x280  }
0x6c: {  	[sflag:s11] =	ssyncset.done $0x0  }
0x6d: {  	[sflag:s11] =	ssyncadd.s32 $0xFFFFFD80  }
0x6e: {  	_ =	swait.ge [sflag:s14], $0xA000  }
0x6f: {  	[sflag:s14] =	ssyncset.done $0x0  }
0x70: {  	[sflag:s14] =	ssyncadd.s32 $0xFFFF6000  }
0x71: {  	[tilespmem:s7], [sflag:$0x4] =	stream.indirect.gather [hbm4b:s3+s6], $0x40, s2, s6, $0xb8;
	[tilespmem:$0x14780] =	vst v63  }
0x72: {  	_ = 	snop  }
0x73: {  	[hbm4b:s20+s12] =	stream.strided.scatter [tilespmem:s8], [sflag:$0x7], $0xA000, s13, s12, $0x38;
	[tilespmem:$0x14780] =	vst v63  }
0x74: {  	_ =	swait.ge [sflag:s17], $0xA000  }
0x75: {  	[sflag:s17] =	ssyncset.done $0x0  }
0x76: {  	[sflag:s17] =	ssyncadd.s32 $0xFFFF6000  }
0x77: {  	[tilespmem:s19], [sflag:$0x3] =	stream.linear.gather [hbm4b:s21+s2], $0x280, $0x38;
	[tilespmem:$0x14780] =	vst v63  }
0x78: {  	_ =	swait.ge [sflag:s26], $0x280  }
0x79: {  	[sflag:s26] =	ssyncset.done $0x0  }
0x7a: {  	[sflag:s26] =	ssyncadd.s32 $0xFFFFFD80  }
0x7b: {  	_ =	swait.ge [sflag:s9], $0xA000  }
0x7c: {  	[sflag:s9] =	ssyncset.done $0x0  }
0x7d: {  	[sflag:s9] =	ssyncadd.s32 $0xFFFF6000  }
0x7e: {  	[tilespmem:s8], [sflag:$0x5] =	stream.indirect.gather [hbm4b:s3+s6], $0x40, s6, s6, $0xb8;
	[tilespmem:$0x14780] =	vst v63  }
0x7f: {  	_ = 	snop  }
0x80: {  	[hbm4b:s18+s12] =	stream.strided.scatter [tilespmem:s7], [sflag:$0x6], $0xA000, s13, s12, $0x38;
	[tilespmem:$0x14780] =	vst v63  }
0x81: {  	_ =	swait.ge [sflag:s15], $0xA000  }
0x82: {  	[sflag:s15] =	ssyncset.done $0x0  }
0x83: {  	[sflag:s15] =	ssyncadd.s32 $0xFFFF6000  }
0x84: {  	[tilespmem:s2], [sflag:$0x1] =	stream.linear.gather [hbm4b:s16+s2], $0x280, $0x38;
	[tilespmem:$0x14780] =	vst v63  }
0x85: {  	_ =	swait.ge [sflag:s24], $0x280  }
0x86: {  	[sflag:s24] =	ssyncset.done $0x0  }
0x87: {  	[sflag:s24] =	ssyncadd.s32 $0xFFFFFD80  }
0x88: {  	_ =	swait.ge [sflag:s14], $0xA000  }
0x89: {  	[sflag:s14] =	ssyncset.done $0x0  }
0x8a: {  	[sflag:s14] =	ssyncadd.s32 $0xFFFF6000  }
0x8b: {  	[tilespmem:s7], [sflag:$0x4] =	stream.indirect.gather [hbm4b:s3+s6], $0x40, s19, s6, $0xb8;
	[tilespmem:$0x14780] =	vst v63  }
0x8c: {  	_ = 	snop  }
0x8d: {  	[hbm4b:s10+s12] =	stream.strided.scatter [tilespmem:s8], [sflag:$0x7], $0xA000, s13, s12, $0x38;
	[tilespmem:$0x14780] =	vst v63  }
0x8e: {  	_ =	swait.ge [sflag:s17], $0xA000  }
0x8f: {  	[sflag:s17] =	ssyncset.done $0x0  }
0x90: {  	[sflag:s17] =	ssyncadd.s32 $0xFFFF6000  }
0x91: {  	_ =	swait.ge [sflag:s11], $0x280  }
0x92: {  	[sflag:s11] =	ssyncset.done $0x0  }
0x93: {  	[sflag:s11] =	ssyncadd.s32 $0xFFFFFD80  }
0x94: {  	_ =	swait.ge [sflag:s9], $0xA000  }
0x95: {  	[sflag:s9] =	ssyncset.done $0x0  }
0x96: {  	[sflag:s9] =	ssyncadd.s32 $0xFFFF6000  }
0x97: {  	[tilespmem:s8], [sflag:$0x5] =	stream.indirect.gather [hbm4b:s3+s6], $0x40, s2, s6, $0xb8;
	[tilespmem:$0x14780] =	vst v63  }
0x98: {  	_ = 	snop  }
0x99: {  	[hbm4b:s5+s12] =	stream.strided.scatter [tilespmem:s7], [sflag:$0x6], $0xA000, s13, s12, $0x38;
	[tilespmem:$0x14780] =	vst v63  }
0x9a: {  	_ =	swait.ge [sflag:s15], $0xA000  }
0x9b: {  	[sflag:s15] =	ssyncset.done $0x0  }
0x9c: {  	[sflag:s15] =	ssyncadd.s32 $0xFFFF6000  }
0x9d: {  	[hbm4b:s4+s12] =	stream.strided.scatter [tilespmem:s8], [sflag:$0x7], $0xA000, s13, s12, $0x38;
	[tilespmem:$0x14780] =	vst v63  }
0x9e: {  	_ =	swait.ge [sflag:s14], $0xA000  }
0x9f: {  	s1 =	rddreg [dreg:$0xa]  }
0xa0: {  	p1 =	sne.s32 s1, $0x1  }
.Ltmp1:
0xa1: {  	_ = 	snop;
	(pc) =	sbr.rel @!p1 .LBB2_3-.Ltmp1, $4  }
0xa2: {  	[sflag:s14] =	ssyncset.done $0x0  }
0xa3: {  	[sflag:s14] =	ssyncadd.s32 $0xFFFF6000  }
0xa4: {  	_ =	swait.ge [sflag:s9], $0xA000  }
0xa5: {  	p0 =	por $0x1, $0x1;
	s1 =	sadd.s32 $0xFFFFFFFF, s1;
	[sflag:s9] =	ssyncset.done $0x0  }
.LBB2_2:
0xa6: {  	s0 =	rddreg [dreg:$0x4];
	[sflag:s9] =	ssyncadd.s32 $0xFFFF6000  }
0xa7: {  	s19 =	smov.u32 s31;
	s31 =	smov.u32 s30;
	s30 =	smov.u32 s29  }
0xa8: {  	s29 =	smov.u32 s28;
	s28 =	smov.u32 s25;
	s25 =	smov.u32 s23  }
0xa9: {  	s23 =	smov.u32 s22;
	s22 =	smov.u32 s21;
	s21 =	smov.u32 s20  }
0xaa: {  	s20 =	smov.u32 s18;
	s18 =	smov.u32 s16;
	s16 =	smov.u32 s10  }
0xab: {  	[tilespmem:s2], [sflag:$0x1] =	stream.linear.gather [hbm4b:s0+s2], $0x280, $0x38;
	[tilespmem:$0x14780] =	vst v63  }
0xac: {  	s10 =	smov.u32 s5;
	s5 =	smov.u32 s4;
	s4 =	rddreg [dreg:$0x5]  }
0xad: {  	[tilespmem:s6], [sflag:$0x2] =	stream.linear.gather [hbm4b:s4+s2], $0x280, $0x38;
	[tilespmem:$0x14780] =	vst v63  }
0xae: {  	s4 =	smov.u32 s5  }
0xaf: {  	s5 =	smov.u32 s10;
	s10 =	smov.u32 s16;
	s16 =	smov.u32 s18  }
0xb0: {  	s18 =	smov.u32 s20;
	s20 =	smov.u32 s21;
	_ =	swait.ge [sflag:s11], $0x280  }
0xb1: {  	s21 =	smov.u32 s22;
	s22 =	smov.u32 s23;
	[sflag:s11] =	ssyncset.done $0x0  }
0xb2: {  	s23 =	smov.u32 s25;
	s25 =	smov.u32 s28;
	[sflag:s11] =	ssyncadd.s32 $0xFFFFFD80  }
0xb3: {  	[tilespmem:s7], [sflag:$0x4] =	stream.indirect.gather [hbm4b:s3+s6], $0x40, s2, s6, $0xb8;
	[tilespmem:$0x14780] =	vst v63  }
0xb4: {  	s28 =	smov.u32 s29;
	s29 =	smov.u32 s30;
	_ =	swait.ge [sflag:s17], $0xA000  }
0xb5: {  	s30 =	smov.u32 s31;
	s31 =	smov.u32 s19;
	[sflag:s17] =	ssyncset.done $0x0  }
0xb6: {  	s19 =	simm.s32 $0x500;
	s0 =	rddreg [dreg:$0x6];
	[sflag:s17] =	ssyncadd.s32 $0xFFFF6000  }
0xb7: {  	[tilespmem:s19], [sflag:$0x3] =	stream.linear.gather [hbm4b:s0+s2], $0x280, $0x38;
	[tilespmem:$0x14780] =	vst v63  }
0xb8: {  	_ =	swait.ge [sflag:s26], $0x280  }
0xb9: {  	[sflag:s26] =	ssyncset.done $0x0  }
0xba: {  	[sflag:s26] =	ssyncadd.s32 $0xFFFFFD80  }
0xbb: {  	[tilespmem:s8], [sflag:$0x5] =	stream.indirect.gather [hbm4b:s3+s6], $0x40, s6, s6, $0xb8;
	[tilespmem:$0x14780] =	vst v63  }
0xbc: {  	s0 =	rddreg [dreg:$0x7]  }
0xbd: {  	[hbm4b:s0+s12] =	stream.strided.scatter [tilespmem:s7], [sflag:$0x6], $0xA000, s13, s12, $0x38;
	[tilespmem:$0x14780] =	vst v63  }
0xbe: {  	_ =	swait.ge [sflag:s15], $0xA000  }
0xbf: {  	[sflag:s15] =	ssyncset.done $0x0  }
0xc0: {  	s0 =	rddreg [dreg:$0x8];
	[sflag:s15] =	ssyncadd.s32 $0xFFFF6000  }
0xc1: {  	[tilespmem:s2], [sflag:$0x1] =	stream.linear.gather [hbm4b:s0+s2], $0x280, $0x38;
	[tilespmem:$0x14780] =	vst v63  }
0xc2: {  	_ =	swait.ge [sflag:s24], $0x280  }
0xc3: {  	[sflag:s24] =	ssyncset.done $0x0  }
0xc4: {  	[sflag:s24] =	ssyncadd.s32 $0xFFFFFD80  }
0xc5: {  	_ =	swait.ge [sflag:s14], $0xA000  }
0xc6: {  	[sflag:s14] =	ssyncset.done $0x0  }
0xc7: {  	[sflag:s14] =	ssyncadd.s32 $0xFFFF6000  }
0xc8: {  	[tilespmem:s7], [sflag:$0x4] =	stream.indirect.gather [hbm4b:s3+s6], $0x40, s19, s6, $0xb8;
	[tilespmem:$0x14780] =	vst v63  }
0xc9: {  	s0 =	rddreg [dreg:$0x9]  }
0xca: {  	[hbm4b:s0+s12] =	stream.strided.scatter [tilespmem:s8], [sflag:$0x7], $0xA000, s13, s12, $0x38;
	[tilespmem:$0x14780] =	vst v63  }
0xcb: {  	_ =	swait.ge [sflag:s17], $0xA000  }
0xcc: {  	[sflag:s17] =	ssyncset.done $0x0  }
0xcd: {  	[sflag:s17] =	ssyncadd.s32 $0xFFFF6000  }
0xce: {  	[tilespmem:s6], [sflag:$0x2] =	stream.linear.gather [hbm4b:s31+s2], $0x280, $0x38;
	[tilespmem:$0x14780] =	vst v63  }
0xcf: {  	_ =	swait.ge [sflag:s11], $0x280  }
0xd0: {  	[sflag:s11] =	ssyncset.done $0x0  }
0xd1: {  	[sflag:s11] =	ssyncadd.s32 $0xFFFFFD80  }
0xd2: {  	_ =	swait.ge [sflag:s9], $0xA000  }
0xd3: {  	[sflag:s9] =	ssyncset.done $0x0  }
0xd4: {  	[sflag:s9] =	ssyncadd.s32 $0xFFFF6000  }
0xd5: {  	[tilespmem:s8], [sflag:$0x5] =	stream.indirect.gather [hbm4b:s3+s6], $0x40, s2, s6, $0xb8;
	[tilespmem:$0x14780] =	vst v63  }
0xd6: {  	_ = 	snop  }
0xd7: {  	[hbm4b:s29+s12] =	stream.strided.scatter [tilespmem:s7], [sflag:$0x6], $0xA000, s13, s12, $0x38;
	[tilespmem:$0x14780] =	vst v63  }
0xd8: {  	_ =	swait.ge [sflag:s15], $0xA000  }
0xd9: {  	[sflag:s15] =	ssyncset.done $0x0  }
0xda: {  	[sflag:s15] =	ssyncadd.s32 $0xFFFF6000  }
0xdb: {  	[tilespmem:s19], [sflag:$0x3] =	stream.linear.gather [hbm4b:s30+s2], $0x280, $0x38;
	[tilespmem:$0x14780] =	vst v63  }
0xdc: {  	_ =	swait.ge [sflag:s26], $0x280  }
0xdd: {  	[sflag:s26] =	ssyncset.done $0x0  }
0xde: {  	[sflag:s26] =	ssyncadd.s32 $0xFFFFFD80  }
0xdf: {  	_ =	swait.ge [sflag:s14], $0xA000  }
0xe0: {  	[sflag:s14] =	ssyncset.done $0x0  }
0xe1: {  	[sflag:s14] =	ssyncadd.s32 $0xFFFF6000  }
0xe2: {  	[tilespmem:s7], [sflag:$0x4] =	stream.indirect.gather [hbm4b:s3+s6], $0x40, s6, s6, $0xb8;
	[tilespmem:$0x14780] =	vst v63  }
0xe3: {  	_ = 	snop  }
0xe4: {  	[hbm4b:s28+s12] =	stream.strided.scatter [tilespmem:s8], [sflag:$0x7], $0xA000, s13, s12, $0x38;
	[tilespmem:$0x14780] =	vst v63  }
0xe5: {  	_ =	swait.ge [sflag:s17], $0xA000  }
0xe6: {  	[sflag:s17] =	ssyncset.done $0x0  }
0xe7: {  	[sflag:s17] =	ssyncadd.s32 $0xFFFF6000  }
0xe8: {  	[tilespmem:s2], [sflag:$0x1] =	stream.linear.gather [hbm4b:s25+s2], $0x280, $0x38;
	[tilespmem:$0x14780] =	vst v63  }
0xe9: {  	_ =	swait.ge [sflag:s24], $0x280  }
0xea: {  	[sflag:s24] =	ssyncset.done $0x0  }
0xeb: {  	[sflag:s24] =	ssyncadd.s32 $0xFFFFFD80  }
0xec: {  	_ =	swait.ge [sflag:s9], $0xA000  }
0xed: {  	[sflag:s9] =	ssyncset.done $0x0  }
0xee: {  	[sflag:s9] =	ssyncadd.s32 $0xFFFF6000  }
0xef: {  	[tilespmem:s8], [sflag:$0x5] =	stream.indirect.gather [hbm4b:s3+s6], $0x40, s19, s6, $0xb8;
	[tilespmem:$0x14780] =	vst v63  }
0xf0: {  	_ = 	snop  }
0xf1: {  	[hbm4b:s23+s12] =	stream.strided.scatter [tilespmem:s7], [sflag:$0x6], $0xA000, s13, s12, $0x38;
	[tilespmem:$0x14780] =	vst v63  }
0xf2: {  	_ =	swait.ge [sflag:s15], $0xA000  }
0xf3: {  	[sflag:s15] =	ssyncset.done $0x0  }
0xf4: {  	[sflag:s15] =	ssyncadd.s32 $0xFFFF6000  }
0xf5: {  	[tilespmem:s6], [sflag:$0x2] =	stream.linear.gather [hbm4b:s22+s2], $0x280, $0x38;
	[tilespmem:$0x14780] =	vst v63  }
0xf6: {  	_ =	swait.ge [sflag:s11], $0x280  }
0xf7: {  	[sflag:s11] =	ssyncset.done $0x0  }
0xf8: {  	[sflag:s11] =	ssyncadd.s32 $0xFFFFFD80  }
0xf9: {  	_ =	swait.ge [sflag:s14], $0xA000  }
0xfa: {  	[sflag:s14] =	ssyncset.done $0x0  }
0xfb: {  	[sflag:s14] =	ssyncadd.s32 $0xFFFF6000  }
0xfc: {  	[tilespmem:s7], [sflag:$0x4] =	stream.indirect.gather [hbm4b:s3+s6], $0x40, s2, s6, $0xb8;
	[tilespmem:$0x14780] =	vst v63  }
0xfd: {  	_ = 	snop  }
0xfe: {  	[hbm4b:s20+s12] =	stream.strided.scatter [tilespmem:s8], [sflag:$0x7], $0xA000, s13, s12, $0x38;
	[tilespmem:$0x14780] =	vst v63  }
0xff: {  	_ =	swait.ge [sflag:s17], $0xA000  }
0x100: {  	[sflag:s17] =	ssyncset.done $0x0  }
0x101: {  	[sflag:s17] =	ssyncadd.s32 $0xFFFF6000  }
0x102: {  	[tilespmem:s19], [sflag:$0x3] =	stream.linear.gather [hbm4b:s21+s2], $0x280, $0x38;
	[tilespmem:$0x14780] =	vst v63  }
0x103: {  	_ =	swait.ge [sflag:s26], $0x280  }
0x104: {  	[sflag:s26] =	ssyncset.done $0x0  }
0x105: {  	[sflag:s26] =	ssyncadd.s32 $0xFFFFFD80  }
0x106: {  	_ =	swait.ge [sflag:s9], $0xA000  }
0x107: {  	[sflag:s9] =	ssyncset.done $0x0  }
0x108: {  	[sflag:s9] =	ssyncadd.s32 $0xFFFF6000  }
0x109: {  	[tilespmem:s8], [sflag:$0x5] =	stream.indirect.gather [hbm4b:s3+s6], $0x40, s6, s6, $0xb8;
	[tilespmem:$0x14780] =	vst v63  }
0x10a: {  	_ = 	snop  }
0x10b: {  	[hbm4b:s18+s12] =	stream.strided.scatter [tilespmem:s7], [sflag:$0x6], $0xA000, s13, s12, $0x38;
	[tilespmem:$0x14780] =	vst v63  }
0x10c: {  	_ =	swait.ge [sflag:s15], $0xA000  }
0x10d: {  	[sflag:s15] =	ssyncset.done $0x0  }
0x10e: {  	[sflag:s15] =	ssyncadd.s32 $0xFFFF6000  }
0x10f: {  	[tilespmem:s2], [sflag:$0x1] =	stream.linear.gather [hbm4b:s16+s2], $0x280, $0x38;
	[tilespmem:$0x14780] =	vst v63  }
0x110: {  	_ =	swait.ge [sflag:s24], $0x280  }
0x111: {  	[sflag:s24] =	ssyncset.done $0x0  }
0x112: {  	[sflag:s24] =	ssyncadd.s32 $0xFFFFFD80  }
0x113: {  	_ =	swait.ge [sflag:s14], $0xA000  }
0x114: {  	[sflag:s14] =	ssyncset.done $0x0  }
0x115: {  	[sflag:s14] =	ssyncadd.s32 $0xFFFF6000  }
0x116: {  	[tilespmem:s7], [sflag:$0x4] =	stream.indirect.gather [hbm4b:s3+s6], $0x40, s19, s6, $0xb8;
	[tilespmem:$0x14780] =	vst v63  }
0x117: {  	_ = 	snop  }
0x118: {  	[hbm4b:s10+s12] =	stream.strided.scatter [tilespmem:s8], [sflag:$0x7], $0xA000, s13, s12, $0x38;
	[tilespmem:$0x14780] =	vst v63  }
0x119: {  	_ =	swait.ge [sflag:s17], $0xA000  }
0x11a: {  	[sflag:s17] =	ssyncset.done $0x0  }
0x11b: {  	[sflag:s17] =	ssyncadd.s32 $0xFFFF6000  }
0x11c: {  	_ =	swait.ge [sflag:s11], $0x280  }
0x11d: {  	[sflag:s11] =	ssyncset.done $0x0  }
0x11e: {  	[sflag:s11] =	ssyncadd.s32 $0xFFFFFD80  }
0x11f: {  	_ =	swait.ge [sflag:s9], $0xA000  }
0x120: {  	[sflag:s9] =	ssyncset.done $0x0  }
0x121: {  	[sflag:s9] =	ssyncadd.s32 $0xFFFF6000  }
0x122: {  	[tilespmem:s8], [sflag:$0x5] =	stream.indirect.gather [hbm4b:s3+s6], $0x40, s2, s6, $0xb8;
	[tilespmem:$0x14780] =	vst v63  }
0x123: {  	_ = 	snop  }
0x124: {  	[hbm4b:s5+s12] =	stream.strided.scatter [tilespmem:s7], [sflag:$0x6], $0xA000, s13, s12, $0x38;
	[tilespmem:$0x14780] =	vst v63  }
0x125: {  	_ =	swait.ge [sflag:s15], $0xA000  }
0x126: {  	[sflag:s15] =	ssyncset.done $0x0  }
0x127: {  	p1 =	sne.s32 s1, $0x1;
	[sflag:s15] =	ssyncadd.s32 $0xFFFF6000  }
0x128: {  	[hbm4b:s4+s12] =	stream.strided.scatter [tilespmem:s8], [sflag:$0x7], $0xA000, s13, s12, $0x38;
	[tilespmem:$0x14780] =	vst v63  }
.Ltmp2:
0x129: {  	_ =	swait.ge [sflag:s14], $0xA000;
	(pc) =	sbr.rel @p1 .LBB2_2-.Ltmp2, $4  }
0x12a: {  	[sflag:s14] =	ssyncset.done $0x0  }
0x12b: {  	[sflag:s14] =	ssyncadd.s32 $0xFFFF6000  }
0x12c: {  	_ =	swait.ge [sflag:s9], $0xA000  }
0x12d: {  	s1 =	sadd.s32 $0xFFFFFFFF, s1;
	[sflag:s9] =	ssyncset.done $0x0  }
.LBB2_3:
0x12e: {  	s0 =	rddreg [dreg:$0x4];
	[sflag:s9] =	ssyncadd.s32 @p0 $0xFFFF6000  }
0x12f: {  	[tilespmem:s2], [sflag:$0x1] =	stream.linear.gather [hbm4b:s0+s2], $0x280, $0x38;
	[tilespmem:$0x14780] =	vst v63  }
0x130: {  	s1 =	rddreg [dreg:$0x5]  }
0x131: {  	[tilespmem:s6], [sflag:$0x2] =	stream.linear.gather [hbm4b:s1+s2], $0x280, $0x38;
	[tilespmem:$0x14780] =	vst v63  }
0x132: {  	_ =	swait.ge [sflag:s11], $0x280  }
0x133: {  	[sflag:s11] =	ssyncset.done $0x0  }
0x134: {  	[sflag:s11] =	ssyncadd.s32 $0xFFFFFD80  }
0x135: {  	[tilespmem:s7], [sflag:$0x4] =	stream.indirect.gather [hbm4b:s3+s6], $0x40, s2, s6, $0xb8;
	[tilespmem:$0x14780] =	vst v63  }
0x136: {  	_ =	swait.ge [sflag:s17], $0xA000  }
0x137: {  	[sflag:s17] =	ssyncset.done $0x0  }
0x138: {  	s1 =	rddreg [dreg:$0x6];
	[sflag:s17] =	ssyncadd.s32 $0xFFFF6000  }
0x139: {  	[tilespmem:s19], [sflag:$0x3] =	stream.linear.gather [hbm4b:s1+s2], $0x280, $0x38;
	[tilespmem:$0x14780] =	vst v63  }
0x13a: {  	_ =	swait.ge [sflag:s26], $0x280  }
0x13b: {  	[sflag:s26] =	ssyncset.done $0x0  }
0x13c: {  	[sflag:s26] =	ssyncadd.s32 $0xFFFFFD80  }
0x13d: {  	[tilespmem:s8], [sflag:$0x5] =	stream.indirect.gather [hbm4b:s3+s6], $0x40, s6, s6, $0xb8;
	[tilespmem:$0x14780] =	vst v63  }
0x13e: {  	s1 =	rddreg [dreg:$0x7]  }
0x13f: {  	[hbm4b:s1+s12] =	stream.strided.scatter [tilespmem:s7], [sflag:$0x6], $0xA000, s13, s12, $0x38;
	[tilespmem:$0x14780] =	vst v63  }
0x140: {  	_ =	swait.ge [sflag:s15], $0xA000  }
0x141: {  	[sflag:s15] =	ssyncset.done $0x0  }
0x142: {  	s1 =	rddreg [dreg:$0x8];
	[sflag:s15] =	ssyncadd.s32 $0xFFFF6000  }
0x143: {  	[tilespmem:s2], [sflag:$0x1] =	stream.linear.gather [hbm4b:s1+s2], $0x280, $0x38;
	[tilespmem:$0x14780] =	vst v63  }
0x144: {  	_ =	swait.ge [sflag:s24], $0x280  }
0x145: {  	[sflag:s24] =	ssyncset.done $0x0  }
0x146: {  	[sflag:s24] =	ssyncadd.s32 $0xFFFFFD80  }
0x147: {  	_ =	swait.ge [sflag:s14], $0xA000  }
0x148: {  	[sflag:s14] =	ssyncset.done $0x0  }
0x149: {  	[sflag:s14] =	ssyncadd.s32 $0xFFFF6000  }
0x14a: {  	[tilespmem:s7], [sflag:$0x4] =	stream.indirect.gather [hbm4b:s3+s6], $0x40, s19, s6, $0xb8;
	[tilespmem:$0x14780] =	vst v63  }
0x14b: {  	s1 =	rddreg [dreg:$0x9]  }
0x14c: {  	[hbm4b:s1+s12] =	stream.strided.scatter [tilespmem:s8], [sflag:$0x7], $0xA000, s13, s12, $0x38;
	[tilespmem:$0x14780] =	vst v63  }
0x14d: {  	_ =	swait.ge [sflag:s17], $0xA000  }
0x14e: {  	[sflag:s17] =	ssyncset.done $0x0  }
0x14f: {  	[sflag:s17] =	ssyncadd.s32 $0xFFFF6000  }
0x150: {  	[tilespmem:s6], [sflag:$0x2] =	stream.linear.gather [hbm4b:s31+s2], $0x280, $0x38;
	[tilespmem:$0x14780] =	vst v63  }
0x151: {  	_ =	swait.ge [sflag:s11], $0x280  }
0x152: {  	[sflag:s11] =	ssyncset.done $0x0  }
0x153: {  	[sflag:s11] =	ssyncadd.s32 $0xFFFFFD80  }
0x154: {  	_ =	swait.ge [sflag:s9], $0xA000  }
0x155: {  	[sflag:s9] =	ssyncset.done $0x0  }
0x156: {  	[sflag:s9] =	ssyncadd.s32 $0xFFFF6000  }
0x157: {  	[tilespmem:s8], [sflag:$0x5] =	stream.indirect.gather [hbm4b:s3+s6], $0x40, s2, s6, $0xb8;
	[tilespmem:$0x14780] =	vst v63  }
0x158: {  	_ = 	snop  }
0x159: {  	[hbm4b:s29+s12] =	stream.strided.scatter [tilespmem:s7], [sflag:$0x6], $0xA000, s13, s12, $0x38;
	[tilespmem:$0x14780] =	vst v63  }
0x15a: {  	_ =	swait.ge [sflag:s15], $0xA000  }
0x15b: {  	[sflag:s15] =	ssyncset.done $0x0  }
0x15c: {  	[sflag:s15] =	ssyncadd.s32 $0xFFFF6000  }
0x15d: {  	[tilespmem:s19], [sflag:$0x3] =	stream.linear.gather [hbm4b:s30+s2], $0x280, $0x38;
	[tilespmem:$0x14780] =	vst v63  }
0x15e: {  	_ =	swait.ge [sflag:s26], $0x280  }
0x15f: {  	[sflag:s26] =	ssyncset.done $0x0  }
0x160: {  	[sflag:s26] =	ssyncadd.s32 $0xFFFFFD80  }
0x161: {  	_ =	swait.ge [sflag:s14], $0xA000  }
0x162: {  	[sflag:s14] =	ssyncset.done $0x0  }
0x163: {  	[sflag:s14] =	ssyncadd.s32 $0xFFFF6000  }
0x164: {  	[tilespmem:s7], [sflag:$0x4] =	stream.indirect.gather [hbm4b:s3+s6], $0x40, s6, s6, $0xb8;
	[tilespmem:$0x14780] =	vst v63  }
0x165: {  	_ = 	snop  }
0x166: {  	[hbm4b:s28+s12] =	stream.strided.scatter [tilespmem:s8], [sflag:$0x7], $0xA000, s13, s12, $0x38;
	[tilespmem:$0x14780] =	vst v63  }
0x167: {  	_ =	swait.ge [sflag:s17], $0xA000  }
0x168: {  	[sflag:s17] =	ssyncset.done $0x0  }
0x169: {  	[sflag:s17] =	ssyncadd.s32 $0xFFFF6000  }
0x16a: {  	[tilespmem:s2], [sflag:$0x1] =	stream.linear.gather [hbm4b:s25+s2], $0x280, $0x38;
	[tilespmem:$0x14780] =	vst v63  }
0x16b: {  	_ =	swait.ge [sflag:s24], $0x280  }
0x16c: {  	[sflag:s24] =	ssyncset.done $0x0  }
0x16d: {  	[sflag:s24] =	ssyncadd.s32 $0xFFFFFD80  }
0x16e: {  	_ =	swait.ge [sflag:s9], $0xA000  }
0x16f: {  	[sflag:s9] =	ssyncset.done $0x0  }
0x170: {  	[sflag:s9] =	ssyncadd.s32 $0xFFFF6000  }
0x171: {  	[tilespmem:s8], [sflag:$0x5] =	stream.indirect.gather [hbm4b:s3+s6], $0x40, s19, s6, $0xb8;
	[tilespmem:$0x14780] =	vst v63  }
0x172: {  	_ = 	snop  }
0x173: {  	[hbm4b:s23+s12] =	stream.strided.scatter [tilespmem:s7], [sflag:$0x6], $0xA000, s13, s12, $0x38;
	[tilespmem:$0x14780] =	vst v63  }
0x174: {  	_ =	swait.ge [sflag:s15], $0xA000  }
0x175: {  	[sflag:s15] =	ssyncset.done $0x0  }
0x176: {  	[sflag:s15] =	ssyncadd.s32 $0xFFFF6000  }
0x177: {  	[tilespmem:s6], [sflag:$0x2] =	stream.linear.gather [hbm4b:s22+s2], $0x280, $0x38;
	[tilespmem:$0x14780] =	vst v63  }
0x178: {  	_ =	swait.ge [sflag:s11], $0x280  }
0x179: {  	[sflag:s11] =	ssyncset.done $0x0  }
0x17a: {  	[sflag:s11] =	ssyncadd.s32 $0xFFFFFD80  }
0x17b: {  	_ =	swait.ge [sflag:s14], $0xA000  }
0x17c: {  	[sflag:s14] =	ssyncset.done $0x0  }
0x17d: {  	[sflag:s14] =	ssyncadd.s32 $0xFFFF6000  }
0x17e: {  	[tilespmem:s7], [sflag:$0x4] =	stream.indirect.gather [hbm4b:s3+s6], $0x40, s2, s6, $0xb8;
	[tilespmem:$0x14780] =	vst v63  }
0x17f: {  	_ = 	snop  }
0x180: {  	[hbm4b:s20+s12] =	stream.strided.scatter [tilespmem:s8], [sflag:$0x7], $0xA000, s13, s12, $0x38;
	[tilespmem:$0x14780] =	vst v63  }
0x181: {  	_ =	swait.ge [sflag:s17], $0xA000  }
0x182: {  	[sflag:s17] =	ssyncset.done $0x0  }
0x183: {  	[sflag:s17] =	ssyncadd.s32 $0xFFFF6000  }
0x184: {  	[tilespmem:s19], [sflag:$0x3] =	stream.linear.gather [hbm4b:s21+s2], $0x280, $0x38;
	[tilespmem:$0x14780] =	vst v63  }
0x185: {  	_ =	swait.ge [sflag:s26], $0x280  }
0x186: {  	[sflag:s26] =	ssyncset.done $0x0  }
0x187: {  	[sflag:s26] =	ssyncadd.s32 $0xFFFFFD80  }
0x188: {  	_ =	swait.ge [sflag:s9], $0xA000  }
0x189: {  	[sflag:s9] =	ssyncset.done $0x0  }
0x18a: {  	[sflag:s9] =	ssyncadd.s32 $0xFFFF6000  }
0x18b: {  	[tilespmem:s8], [sflag:$0x5] =	stream.indirect.gather [hbm4b:s3+s6], $0x40, s6, s6, $0xb8;
	[tilespmem:$0x14780] =	vst v63  }
0x18c: {  	_ = 	snop  }
0x18d: {  	[hbm4b:s18+s12] =	stream.strided.scatter [tilespmem:s7], [sflag:$0x6], $0xA000, s13, s12, $0x38;
	[tilespmem:$0x14780] =	vst v63  }
0x18e: {  	_ =	swait.ge [sflag:s15], $0xA000  }
0x18f: {  	[sflag:s15] =	ssyncset.done $0x0  }
0x190: {  	[sflag:s15] =	ssyncadd.s32 $0xFFFF6000  }
0x191: {  	[tilespmem:s2], [sflag:$0x1] =	stream.linear.gather [hbm4b:s16+s2], $0x280, $0x38;
	[tilespmem:$0x14780] =	vst v63  }
0x192: {  	_ =	swait.ge [sflag:s24], $0x280  }
0x193: {  	[sflag:s24] =	ssyncset.done $0x0  }
0x194: {  	[sflag:s24] =	ssyncadd.s32 $0xFFFFFD80  }
0x195: {  	_ =	swait.ge [sflag:s14], $0xA000  }
0x196: {  	[sflag:s14] =	ssyncset.done $0x0  }
0x197: {  	[sflag:s14] =	ssyncadd.s32 $0xFFFF6000  }
0x198: {  	[tilespmem:s7], [sflag:$0x4] =	stream.indirect.gather [hbm4b:s3+s6], $0x40, s19, s6, $0xb8;
	[tilespmem:$0x14780] =	vst v63  }
0x199: {  	_ = 	snop  }
0x19a: {  	[hbm4b:s10+s12] =	stream.strided.scatter [tilespmem:s8], [sflag:$0x7], $0xA000, s13, s12, $0x38;
	[tilespmem:$0x14780] =	vst v63  }
0x19b: {  	_ =	swait.ge [sflag:s17], $0xA000  }
0x19c: {  	[sflag:s17] =	ssyncset.done $0x0  }
0x19d: {  	[sflag:s17] =	ssyncadd.s32 $0xFFFF6000  }
0x19e: {  	_ =	swait.ge [sflag:s11], $0x280  }
0x19f: {  	[sflag:s11] =	ssyncset.done $0x0  }
0x1a0: {  	[sflag:s11] =	ssyncadd.s32 $0xFFFFFD80  }
0x1a1: {  	_ =	swait.ge [sflag:s9], $0xA000  }
0x1a2: {  	[sflag:s9] =	ssyncset.done $0x0  }
0x1a3: {  	[sflag:s9] =	ssyncadd.s32 $0xFFFF6000  }
0x1a4: {  	[tilespmem:s8], [sflag:$0x5] =	stream.indirect.gather [hbm4b:s3+s6], $0x40, s2, s6, $0xb8;
	[tilespmem:$0x14780] =	vst v63  }
0x1a5: {  	_ = 	snop  }
0x1a6: {  	[hbm4b:s5+s12] =	stream.strided.scatter [tilespmem:s7], [sflag:$0x6], $0xA000, s13, s12, $0x38;
	[tilespmem:$0x14780] =	vst v63  }
0x1a7: {  	_ =	swait.ge [sflag:s15], $0xA000  }
0x1a8: {  	[sflag:s15] =	ssyncset.done $0x0  }
0x1a9: {  	[sflag:s15] =	ssyncadd.s32 $0xFFFF6000  }
0x1aa: {  	[hbm4b:s4+s12] =	stream.strided.scatter [tilespmem:s8], [sflag:$0x7], $0xA000, s13, s12, $0x38;
	[tilespmem:$0x14780] =	vst v63  }
0x1ab: {  	_ =	swait.ge [sflag:s14], $0xA000  }
0x1ac: {  	[sflag:s14] =	ssyncset.done $0x0  }
0x1ad: {  	[sflag:s14] =	ssyncadd.s32 $0xFFFF6000  }
0x1ae: {  	_ =	swait.ge [sflag:s9], $0xA000  }
0x1af: {  	[sflag:s9] =	ssyncset.done $0x0  }
0x1b0: {  	[sflag:s9] =	ssyncadd.s32 $0xFFFF6000  }
0x1b1: {  	_ =	sfence.sel $0x180000  }
0x1b2: {  	[bflag:$0x0] =	sbarrier.arrive $0xFFFF  }
0x1b3: {  	_ =	strace $0x90000047  }
0x1b4: {  	s31 =	stileid.u32;
	[bflag:$0x2] =	sbarrier.arrive $0xFFFF  }
0x1b5: {  	p0 =	sne.s32 s31, $0x0;
	s0 =	rddreg [dreg:$0x3]  }
0x1b6: {  	s0 =	sadd.s32 @!p0 $0x100000, s0  }
0x1b7: {  	[sflag:s0] =	ssyncadd.tile.s32 @!p0 $0x1;
	_ =	shalt  }
.Lfunc_end2:
_tile_overlayer_lowered:
.L_overlay_start_2:
0x1b8: {  	(tag) =	ssettag $0x2  }
0x1b9: {  	s0 =	rddreg [dreg:$0x0];
	s2 =	stileid.u32  }
0x1ba: {  	s1 =	rddreg [dreg:$0x1];
	p0 =	sne.s32 s2, $0x0  }
0x1bb: {  	s3 =	rddreg [dreg:$0x2];
	[bflag:$0x3] =	sbarrier.arrive $0xFFFF;
	s2 =	simm.s32 @!p0 $0x1C08  }
0x1bc: {  	[timem:s3], [sflag:s2] =	dma.local @!p0 [hbm:s0], s1  }
0x1bd: {  	s0 =	simm.s32 @!p0 $0x8  }
0x1be: {  	_ =	swait.ge @!p0 [sflag:s0], s1  }
0x1bf: {  	s1 =	ssub.s32 @!p0 $0x0, s1;
	[sflag:s0] =	ssyncset.done @!p0 $0x0  }
0x1c0: {  	[sflag:s0] =	ssyncadd.s32 @!p0 s1  }
0x1c1: {  	[bflag:$0x3] =	sbarrier.arrive $0xFFFF  }
0x1c2: {  	_ =	shalt  }

</sc_bundles>
